<compile_context>
chip_gen: v7x
topology: tpu7x:2x2x1
jax: 0.10.2.dev20260603
libtpu: 0.0.44.dev20260713+nightly
codegen_flags: <defaults>
</compile_context>

<pallas_src>
import math

import jax
import jax.numpy as jnp
import numpy as np
from jax import lax
from jax.experimental import pallas as pl
from jax.experimental.pallas import tpu as pltpu
from jax.experimental.pallas import tpu_sc as plsc

N_POLY = 4
SEGMENTS = 100000
OUT_F = 64
OUT_P = 128
BATCH = 4096

NC, NS, L = 2, 16, 16
NW = NC * NS
B_PER_W = BATCH // NW
N_CHUNKS = B_PER_W // L
NSLOT = 8
PREF = 6

_NODES = (-np.cos(np.arange(N_POLY) * math.pi / (N_POLY - 1))).astype(np.float32)
_DENS = []
for _j in range(N_POLY):
    _d = np.float32(1.0)
    for _m in range(N_POLY):
        if _m != _j:
            _d = np.float32(_d * np.float32(_NODES[_j] - _NODES[_m]))
    _DENS.append(float(_d))
_N0, _N1, _N2, _N3 = (float(v) for v in _NODES)

_BIG = np.int32(2**30)


def _body(xs_hbm, perm_hbm, w_hbm, out_hbm, xv, pvv, sv, k2v, basisv, tiles,
          wout, semr, sem1):
    wid = lax.axis_index("s") * NC + lax.axis_index("c")
    base = wid * B_PER_W

    pltpu.sync_copy(xs_hbm.at[pl.ds(base, B_PER_W)], xv)
    pltpu.sync_copy(perm_hbm.at[pl.ds(base, B_PER_W)], pvv)

    iota = lax.iota(jnp.int32, L)

    def idx_chunk(c, _):
        xc = xv[pl.ds(c * L, L)]
        t = (xc + 1.0) / 2.0 * float(SEGMENTS)
        iid = t.astype(jnp.int32)
        idf = iid.astype(jnp.float32)
        s = iid * 3
        sv[pl.ds(c * L, L)] = s
        k2v[pl.ds(c * L, L)] = jnp.right_shift(s + (N_POLY - 1), 7)
        x_min = idf / float(SEGMENTS) * 2.0 - 1.0
        x_max = (idf + 1.0) / float(SEGMENTS) * 2.0 - 1.0
        xi = 2.0 * ((xc - x_min) / (x_max - x_min)) - 1.0
        b0 = (xi - _N1) * (xi - _N2) * (xi - _N3) / _DENS[0]
        b1 = (xi - _N0) * (xi - _N2) * (xi - _N3) / _DENS[1]
        b2 = (xi - _N0) * (xi - _N1) * (xi - _N3) / _DENS[2]
        b3 = (xi - _N0) * (xi - _N1) * (xi - _N2) / _DENS[3]
        basisv[pl.ds(0 * B_PER_W + c * L, L)] = b0
        basisv[pl.ds(1 * B_PER_W + c * L, L)] = b1
        basisv[pl.ds(2 * B_PER_W + c * L, L)] = b2
        basisv[pl.ds(3 * B_PER_W + c * L, L)] = b3
        return 0

    lax.fori_loop(0, N_CHUNKS, idx_chunk, 0)
    k2v[pl.ds(B_PER_W, L)] = jnp.full((L,), _BIG, dtype=jnp.int32)

    first = sv[pl.ds(0, L)]
    last = sv[pl.ds(B_PER_W - L, L)]
    lo = jnp.right_shift(first[0], 7)
    hi = jnp.right_shift(last[L - 1] + (N_POLY - 1), 7)
    n_t = hi - lo + 1

    def fire(j):
        off = pl.multiple_of((lo + j) * 128, 128)
        pltpu.async_copy(
            w_hbm.at[:, pl.ds(off, 128)],
            tiles.at[jnp.bitwise_and(j, NSLOT - 1)],
            semr.at[jnp.bitwise_and(j, NSLOT - 1)],
        )

    for _j in range(PREF):
        @pl.when(jnp.int32(_j) < n_t)
        def _(_j=_j):
            fire(jnp.int32(_j))

    def process(ptr, t):
        ispl = jnp.full((L,), ptr, dtype=jnp.int32)
        s_spl = plsc.load_gather(sv, [ispl])
        bn = [
            plsc.load_gather(basisv, [ispl + (n * B_PER_W)])
            for n in range(N_POLY)
        ]
        slots = []
        cols = []
        for n in range(N_POLY):
            tn = s_spl + n
            j = jnp.right_shift(tn, 7) - lo
            slots.append(jnp.bitwise_and(j, NSLOT - 1))
            cols.append(jnp.bitwise_and(tn, 127))
        for q in range(OUT_F // L):
            oq = q * L + iota
            acc = None
            for n in range(N_POLY):
                wv = plsc.load_gather(tiles, [slots[n], oq, cols[n]])
                acc = wv * bn[n] if acc is None else acc + wv * bn[n]
            wout[ptr, pl.ds(q * L, L)] = acc

    def tile_step(t, carry):
        ptr, k2cur = carry

        @pl.when(t + PREF < n_t)
        def _():
            fire(t + PREF)

        slot = jnp.bitwise_and(t, NSLOT - 1)
        pltpu.make_async_copy(
            w_hbm.at[:, pl.ds(0, 128)], tiles.at[slot], semr.at[slot]
        ).wait()

        def run_cond(c):
            p, k2 = c
            return k2 == lo + t

        def run_body(c):
            p, _ = c
            process(p, t)
            pn = p + 1
            k2n = plsc.load_gather(k2v, [jnp.full((L,), pn, dtype=jnp.int32)])
            return pn, k2n[0]

        ptr, k2cur = lax.while_loop(run_cond, run_body, (ptr, k2cur))
        return ptr, k2cur

    k20 = plsc.load_gather(k2v, [jnp.zeros((L,), dtype=jnp.int32)])
    lax.fori_loop(0, n_t, tile_step, (jnp.int32(0), k20[0]))

    pltpu.async_copy(wout, out_hbm.at[pvv], sem1).wait()


@jax.jit
def kernel(x, w):
    xs, perm = lax.sort(
        (x.reshape(BATCH), lax.iota(jnp.int32, BATCH)), num_keys=1
    )
    mesh = plsc.VectorSubcoreMesh(
        core_axis_name="c", subcore_axis_name="s", num_cores=NC, num_subcores=NS
    )
    out_pad = pl.kernel(
        _body,
        out_type=jax.ShapeDtypeStruct((BATCH, OUT_P), jnp.float32),
        mesh=mesh,
        compiler_params=pltpu.CompilerParams(
            use_tc_tiling_on_sc=True,
            needs_layout_passes=False,
            disable_bounds_checks=True,
        ),
        scratch_types=[
            pltpu.VMEM((B_PER_W,), jnp.float32),
            pltpu.VMEM((B_PER_W,), jnp.int32),
            pltpu.VMEM((B_PER_W + L,), jnp.int32),
            pltpu.VMEM((B_PER_W + L,), jnp.int32),
            pltpu.VMEM((N_POLY * B_PER_W,), jnp.float32),
            pltpu.VMEM((NSLOT, OUT_F, 128), jnp.float32),
            pltpu.VMEM((B_PER_W, OUT_P), jnp.float32),
            pltpu.SemaphoreType.DMA((NSLOT,)),
            pltpu.SemaphoreType.DMA,
        ],
    )(xs, perm, w)
    return out_pad[:, :OUT_F]

# --- scband reference (transcript-rebuilt; emitter-appended) ---
"""Pipeline reference for scband-piecewise-polynomial-45492293599257 (READ-ONLY COPY).

The authoritative reference and input builder live on the scoring server;
editing this copy changes nothing except your own understanding.
"""

import jax, jax.numpy as jnp
import numpy as np
import math

N_POLY = 4
SEGMENTS = 100000
IN_FEATURES = 1
OUT_FEATURES = 64
BATCH = 4096


def chebyshev_lobatto(n):
    k = jnp.arange(n, dtype=jnp.float32)
    return -jnp.cos(k * math.pi / (n - 1))


def setup_inputs(seed: int = 0) -> dict:
    key = jax.random.key(seed)
    k1, k2 = jax.random.split(key)
    # x in [0, 1) subset of [-1, 1) so segment indices stay in range
    x = jax.random.uniform(k1, (BATCH, IN_FEATURES), dtype=jnp.float32)
    # learned parameter, matches torch: Tensor(out_features, in_features*((n-1)*segments+1)).uniform_(-1,1)
    w = jax.random.uniform(
        k2,
        (OUT_FEATURES, IN_FEATURES * ((N_POLY - 1) * SEGMENTS + 1)),
        dtype=jnp.float32,
        minval=-1.0,
        maxval=1.0,
    )
    return {"x": x, "w": w}


def _lagrange_basis(x_in, nodes):
    # x_in: [B, in_features]; nodes: [n] Chebyshev-Lobatto points
    n = nodes.shape[0]
    diffs = x_in[..., None] - nodes  # [B, F, n]
    denom = nodes[:, None] - nodes[None, :]  # [n, n]
    basis = []
    idx = jnp.arange(n)
    for j in range(n):
        mask = idx != j
        num = jnp.prod(jnp.where(mask, diffs, 1.0), axis=-1)  # [B, F]
        den = jnp.prod(jnp.where(mask, denom[j], 1.0))
        basis.append(num / den)
    return jnp.stack(basis, axis=-1)  # [B, F, n]


def _eta(index, segments):
    return index.astype(jnp.float32) / float(segments) * 2.0 - 1.0


def reference(x, w):
    n = N_POLY
    segments = SEGMENTS
    # segment indices (torch .long() truncation; x >= -1 so floor == trunc here)
    id_min = jnp.floor((x + 1.0) / 2.0 * segments).astype(jnp.int32)
    id_max = id_min + 1
    wid_min = id_min * (n - 1)  # [B, 1]; slice width = n
    x_min = _eta(id_min, segments)
    x_max = _eta(id_max, segments)
    x_in = 2.0 * ((x - x_min) / (x_max - x_min)) - 1.0  # [B, 1], rescaled to [-1, 1]
    # gather per-sample weight slices w[:, wid_min[b,0] : wid_min[b,0]+n]
    start = wid_min[:, 0]  # [B]
    cols = start[:, None] + jnp.arange(n)[None, :]  # [B, n]
    w_in = jnp.take(w, cols, axis=1)  # [out, B, n]
    w_in = jnp.transpose(w_in, (1, 0, 2))  # [B, out, n]  (== torch.stack(w_list))
    basis = _lagrange_basis(x_in, chebyshev_lobatto(n))  # [B, 1, n]
    fx = jnp.einsum('bkn,bon->bo', basis, w_in)  # [B, out]
    return fx

if __name__ == "__main__":
    import jax
    _d = setup_inputs()
    print(jax.jit(kernel)(*tuple(_d.values())))

</pallas_src>

<mosaic_0001>
#map = affine_map<(d0, d1) -> (0)>
#map1 = affine_map<(d0, d1) -> (0, 0)>
module attributes {stable_mosaic.version = 14 : i64} {
  func.func @_body(%arg0: i32, %arg1: i32, %arg2: memref<4096xf32, #tpu.memory_space<hbm>>, %arg3: memref<4096xi32, #tpu.memory_space<hbm>>, %arg4: memref<64x300001xf32, #tpu.memory_space<hbm>>, %arg5: memref<4096x128xf32, #tpu.memory_space<hbm>>, %arg6: memref<128xf32, #tpu.memory_space<vmem>>, %arg7: memref<128xi32, #tpu.memory_space<vmem>>, %arg8: memref<144xi32, #tpu.memory_space<vmem>>, %arg9: memref<144xi32, #tpu.memory_space<vmem>>, %arg10: memref<512xf32, #tpu.memory_space<vmem>>, %arg11: memref<8x64x128xf32, #tpu.memory_space<vmem>>, %arg12: memref<128x128xf32, #tpu.memory_space<vmem>>, %arg13: memref<8x!tpu.dma_semaphore, #tpu.memory_space<semaphore_mem>>, %arg14: memref<!tpu.dma_semaphore, #tpu.memory_space<semaphore_mem>>) attributes {dimension_semantics = [#tpu.dimension_semantics<core_parallel>, #tpu.dimension_semantics<subcore_parallel>], iteration_bounds = array<i64: 2, 16>, scalar_prefetch = 0 : i64, scratch_operands = 9 : i64, tpu.core_type = #tpu.core_type<sc_vector_subcore>, window_params = [{transform_indices = #map}, {transform_indices = #map}, {transform_indices = #map1}, {transform_indices = #map1}]} {
    %mul3A = arith.constant 2 : i32
    %mul3A_0 = arith.muli %arg1, %mul3A : i32
    %add3A = arith.addi %mul3A_0, %arg0 : i32
    %mul3A_1 = arith.constant 128 : i32
    %mul3A_2 = arith.muli %add3A, %mul3A_1 : i32
    "tpu.region"() ({
      %run_scoped3A = tpu.sem_alloc : memref<!tpu.dma_semaphore, #tpu.memory_space<semaphore_mem>>
      %dma_start3A_69 = tpu.memref_slice %arg2[%mul3A_2] : memref<4096xf32, #tpu.memory_space<hbm>> -> memref<128xf32, #tpu.memory_space<hbm>>
      %dma_start3A_70 = tpu.memref_slice %arg2[%mul3A_2] : memref<4096xf32, #tpu.memory_space<hbm>> -> memref<128xf32, #tpu.memory_space<hbm>>
      tpu.enqueue_dma source(%dma_start3A_70 : memref<128xf32, #tpu.memory_space<hbm>>) target(%arg6 : memref<128xf32, #tpu.memory_space<vmem>>) target_semaphore(%run_scoped3A : memref<!tpu.dma_semaphore, #tpu.memory_space<semaphore_mem>>)
      %dma_wait3A_71 = tpu.memref_slice %arg2[%mul3A_2] : memref<4096xf32, #tpu.memory_space<hbm>> -> memref<128xf32, #tpu.memory_space<hbm>>
      %dma_wait3A_72 = tpu.memref_slice %arg2[%mul3A_2] : memref<4096xf32, #tpu.memory_space<hbm>> -> memref<128xf32, #tpu.memory_space<hbm>>
      tpu.wait_dma2 semaphore(%run_scoped3A : memref<!tpu.dma_semaphore, #tpu.memory_space<semaphore_mem>>) src(%dma_wait3A_72 : memref<128xf32, #tpu.memory_space<hbm>>) dst(%arg6 : memref<128xf32, #tpu.memory_space<vmem>>)
      tpu.yield
    }) : () -> ()
    "tpu.region"() ({
      %run_scoped3A = tpu.sem_alloc : memref<!tpu.dma_semaphore, #tpu.memory_space<semaphore_mem>>
      %dma_start3A_69 = tpu.memref_slice %arg3[%mul3A_2] : memref<4096xi32, #tpu.memory_space<hbm>> -> memref<128xi32, #tpu.memory_space<hbm>>
      %dma_start3A_70 = tpu.memref_slice %arg3[%mul3A_2] : memref<4096xi32, #tpu.memory_space<hbm>> -> memref<128xi32, #tpu.memory_space<hbm>>
      tpu.enqueue_dma source(%dma_start3A_70 : memref<128xi32, #tpu.memory_space<hbm>>) target(%arg7 : memref<128xi32, #tpu.memory_space<vmem>>) target_semaphore(%run_scoped3A : memref<!tpu.dma_semaphore, #tpu.memory_space<semaphore_mem>>)
      %dma_wait3A_71 = tpu.memref_slice %arg3[%mul3A_2] : memref<4096xi32, #tpu.memory_space<hbm>> -> memref<128xi32, #tpu.memory_space<hbm>>
      %dma_wait3A_72 = tpu.memref_slice %arg3[%mul3A_2] : memref<4096xi32, #tpu.memory_space<hbm>> -> memref<128xi32, #tpu.memory_space<hbm>>
      tpu.wait_dma2 semaphore(%run_scoped3A : memref<!tpu.dma_semaphore, #tpu.memory_space<semaphore_mem>>) src(%dma_wait3A_72 : memref<128xi32, #tpu.memory_space<hbm>>) dst(%arg7 : memref<128xi32, #tpu.memory_space<vmem>>)
      tpu.yield
    }) : () -> ()
    %iota3A = tpu.iota {dimensions = array<i32: 0>} : vector<16xi32>
    %scan3A = arith.constant 0 : i32
    %scan3A_3 = arith.constant 0 : i32
    %scan3A_4 = arith.constant 8 : i32
    %scan3A_5 = arith.addi %scan3A_3, %scan3A_4 : i32
    %scan3A_6 = arith.constant 1 : i32
    %scan3A_7 = scf.for %scan3A_69 = %scan3A_3 to %scan3A_5 step %scan3A_6 iter_args(%scan3A_70 = %scan3A) -> (i32)  : i32 {
      %mul3A_71 = arith.constant 16 : i32
      %mul3A_72 = arith.muli %scan3A_69, %mul3A_71 : i32
      %get3A_73 = arith.index_cast %mul3A_72 : i32 to index
      %get3A_74 = tpu.vector_load %arg6[%get3A_73] {strides = array<i32>} : memref<128xf32, #tpu.memory_space<vmem>>, vector<16xf32>,
      %add3A_75 = arith.constant 1.000000e+00 : f32
      %add3A_76 = vector.broadcast %add3A_75 : f32 to vector<16xf32>
      %add3A_77 = arith.addf %get3A_74, %add3A_76 : vector<16xf32>
      %div3A = arith.constant 2.000000e+00 : f32
      %div3A_78 = vector.broadcast %div3A : f32 to vector<16xf32>
      %div3A_79 = arith.divf %add3A_77, %div3A_78 : vector<16xf32>
      %mul3A_80 = arith.constant 1.000000e+05 : f32
      %mul3A_81 = vector.broadcast %mul3A_80 : f32 to vector<16xf32>
      %mul3A_82 = arith.mulf %div3A_79, %mul3A_81 : vector<16xf32>
      %convert_element_type3A_83 = arith.fptosi %mul3A_82 : vector<16xf32> to vector<16xi32>
      %convert_element_type3A_84 = arith.sitofp %convert_element_type3A_83 : vector<16xi32> to vector<16xf32>
      %mul3A_85 = arith.constant 3 : i32
      %mul3A_86 = vector.broadcast %mul3A_85 : i32 to vector<16xi32>
      %mul3A_87 = arith.muli %convert_element_type3A_83, %mul3A_86 : vector<16xi32>
      %mul3A_88 = arith.constant 16 : i32
      %mul3A_89 = arith.muli %scan3A_69, %mul3A_88 : i32
      %swap3A_90 = arith.index_cast %mul3A_89 : i32 to index
      %swap3A_91 = tpu.vector_load %arg8[%swap3A_90] {strides = array<i32>} : memref<144xi32, #tpu.memory_space<vmem>>, vector<16xi32>,
      tpu.vector_store %arg8[%swap3A_90], %mul3A_87 {strides = array<i32>} : memref<144xi32, #tpu.memory_space<vmem>>, vector<16xi32>,
      %add3A_92 = arith.constant 3 : i32
      %add3A_93 = vector.broadcast %add3A_92 : i32 to vector<16xi32>
      %add3A_94 = arith.addi %mul3A_87, %add3A_93 : vector<16xi32>
      %shift_right_arithmetic3A_95 = arith.constant 7 : i32
      %shift_right_arithmetic3A_96 = vector.broadcast %shift_right_arithmetic3A_95 : i32 to vector<16xi32>
      %shift_right_arithmetic3A_97 = arith.shrsi %add3A_94, %shift_right_arithmetic3A_96 : vector<16xi32>
      %mul3A_98 = arith.constant 16 : i32
      %mul3A_99 = arith.muli %scan3A_69, %mul3A_98 : i32
      %swap3A_100 = arith.index_cast %mul3A_99 : i32 to index
      %swap3A_101 = tpu.vector_load %arg9[%swap3A_100] {strides = array<i32>} : memref<144xi32, #tpu.memory_space<vmem>>, vector<16xi32>,
      tpu.vector_store %arg9[%swap3A_100], %shift_right_arithmetic3A_97 {strides = array<i32>} : memref<144xi32, #tpu.memory_space<vmem>>, vector<16xi32>,
      %div3A_102 = arith.constant 1.000000e+05 : f32
      %div3A_103 = vector.broadcast %div3A_102 : f32 to vector<16xf32>
      %div3A_104 = arith.divf %convert_element_type3A_84, %div3A_103 : vector<16xf32>
      %mul3A_105 = arith.constant 2.000000e+00 : f32
      %mul3A_106 = vector.broadcast %mul3A_105 : f32 to vector<16xf32>
      %mul3A_107 = arith.mulf %div3A_104, %mul3A_106 : vector<16xf32>
      %sub3A_108 = arith.constant 1.000000e+00 : f32
      %sub3A_109 = vector.broadcast %sub3A_108 : f32 to vector<16xf32>
      %sub3A_110 = arith.subf %mul3A_107, %sub3A_109 : vector<16xf32>
      %add3A_111 = arith.constant 1.000000e+00 : f32
      %add3A_112 = vector.broadcast %add3A_111 : f32 to vector<16xf32>
      %add3A_113 = arith.addf %convert_element_type3A_84, %add3A_112 : vector<16xf32>
      %div3A_114 = arith.constant 1.000000e+05 : f32
      %div3A_115 = vector.broadcast %div3A_114 : f32 to vector<16xf32>
      %div3A_116 = arith.divf %add3A_113, %div3A_115 : vector<16xf32>
      %mul3A_117 = arith.constant 2.000000e+00 : f32
      %mul3A_118 = vector.broadcast %mul3A_117 : f32 to vector<16xf32>
      %mul3A_119 = arith.mulf %div3A_116, %mul3A_118 : vector<16xf32>
      %sub3A_120 = arith.constant 1.000000e+00 : f32
      %sub3A_121 = vector.broadcast %sub3A_120 : f32 to vector<16xf32>
      %sub3A_122 = arith.subf %mul3A_119, %sub3A_121 : vector<16xf32>
      %sub3A_123 = arith.subf %get3A_74, %sub3A_110 : vector<16xf32>
      %sub3A_124 = arith.subf %sub3A_122, %sub3A_110 : vector<16xf32>
      %div3A_125 = arith.divf %sub3A_123, %sub3A_124 : vector<16xf32>
      %mul3A_126 = arith.constant 2.000000e+00 : f32
      %mul3A_127 = vector.broadcast %mul3A_126 : f32 to vector<16xf32>
      %mul3A_128 = arith.mulf %mul3A_127, %div3A_125 : vector<16xf32>
      %sub3A_129 = arith.constant 1.000000e+00 : f32
      %sub3A_130 = vector.broadcast %sub3A_129 : f32 to vector<16xf32>
      %sub3A_131 = arith.subf %mul3A_128, %sub3A_130 : vector<16xf32>
      %sub3A_132 = arith.constant -5.000000e-01 : f32
      %sub3A_133 = vector.broadcast %sub3A_132 : f32 to vector<16xf32>
      %sub3A_134 = arith.subf %sub3A_131, %sub3A_133 : vector<16xf32>
      %sub3A_135 = arith.constant 5.000000e-01 : f32
      %sub3A_136 = vector.broadcast %sub3A_135 : f32 to vector<16xf32>
      %sub3A_137 = arith.subf %sub3A_131, %sub3A_136 : vector<16xf32>
      %mul3A_138 = arith.mulf %sub3A_134, %sub3A_137 : vector<16xf32>
      %sub3A_139 = arith.constant 1.000000e+00 : f32
      %sub3A_140 = vector.broadcast %sub3A_139 : f32 to vector<16xf32>
      %sub3A_141 = arith.subf %sub3A_131, %sub3A_140 : vector<16xf32>
      %mul3A_142 = arith.mulf %mul3A_138, %sub3A_141 : vector<16xf32>
      %div3A_143 = arith.constant -1.500000e+00 : f32
      %div3A_144 = vector.broadcast %div3A_143 : f32 to vector<16xf32>
      %div3A_145 = arith.divf %mul3A_142, %div3A_144 : vector<16xf32>
      %sub3A_146 = arith.constant -1.000000e+00 : f32
      %sub3A_147 = vector.broadcast %sub3A_146 : f32 to vector<16xf32>
      %sub3A_148 = arith.subf %sub3A_131, %sub3A_147 : vector<16xf32>
      %sub3A_149 = arith.constant 5.000000e-01 : f32
      %sub3A_150 = vector.broadcast %sub3A_149 : f32 to vector<16xf32>
      %sub3A_151 = arith.subf %sub3A_131, %sub3A_150 : vector<16xf32>
      %mul3A_152 = arith.mulf %sub3A_148, %sub3A_151 : vector<16xf32>
      %sub3A_153 = arith.constant 1.000000e+00 : f32
      %sub3A_154 = vector.broadcast %sub3A_153 : f32 to vector<16xf32>
      %sub3A_155 = arith.subf %sub3A_131, %sub3A_154 : vector<16xf32>
      %mul3A_156 = arith.mulf %mul3A_152, %sub3A_155 : vector<16xf32>
      %div3A_157 = arith.constant 7.500000e-01 : f32
      %div3A_158 = vector.broadcast %div3A_157 : f32 to vector<16xf32>
      %div3A_159 = arith.divf %mul3A_156, %div3A_158 : vector<16xf32>
      %sub3A_160 = arith.constant -1.000000e+00 : f32
      %sub3A_161 = vector.broadcast %sub3A_160 : f32 to vector<16xf32>
      %sub3A_162 = arith.subf %sub3A_131, %sub3A_161 : vector<16xf32>
      %sub3A_163 = arith.constant -5.000000e-01 : f32
      %sub3A_164 = vector.broadcast %sub3A_163 : f32 to vector<16xf32>
      %sub3A_165 = arith.subf %sub3A_131, %sub3A_164 : vector<16xf32>
      %mul3A_166 = arith.mulf %sub3A_162, %sub3A_165 : vector<16xf32>
      %sub3A_167 = arith.constant 1.000000e+00 : f32
      %sub3A_168 = vector.broadcast %sub3A_167 : f32 to vector<16xf32>
      %sub3A_169 = arith.subf %sub3A_131, %sub3A_168 : vector<16xf32>
      %mul3A_170 = arith.mulf %mul3A_166, %sub3A_169 : vector<16xf32>
      %div3A_171 = arith.constant -7.500000e-01 : f32
      %div3A_172 = vector.broadcast %div3A_171 : f32 to vector<16xf32>
      %div3A_173 = arith.divf %mul3A_170, %div3A_172 : vector<16xf32>
      %sub3A_174 = arith.constant -1.000000e+00 : f32
      %sub3A_175 = vector.broadcast %sub3A_174 : f32 to vector<16xf32>
      %sub3A_176 = arith.subf %sub3A_131, %sub3A_175 : vector<16xf32>
      %sub3A_177 = arith.constant -5.000000e-01 : f32
      %sub3A_178 = vector.broadcast %sub3A_177 : f32 to vector<16xf32>
      %sub3A_179 = arith.subf %sub3A_131, %sub3A_178 : vector<16xf32>
      %mul3A_180 = arith.mulf %sub3A_176, %sub3A_179 : vector<16xf32>
      %sub3A_181 = arith.constant 5.000000e-01 : f32
      %sub3A_182 = vector.broadcast %sub3A_181 : f32 to vector<16xf32>
      %sub3A_183 = arith.subf %sub3A_131, %sub3A_182 : vector<16xf32>
      %mul3A_184 = arith.mulf %mul3A_180, %sub3A_183 : vector<16xf32>
      %div3A_185 = arith.constant 1.500000e+00 : f32
      %div3A_186 = vector.broadcast %div3A_185 : f32 to vector<16xf32>
      %div3A_187 = arith.divf %mul3A_184, %div3A_186 : vector<16xf32>
      %mul3A_188 = arith.constant 16 : i32
      %mul3A_189 = arith.muli %scan3A_69, %mul3A_188 : i32
      %add3A_190 = arith.constant 0 : i32
      %add3A_191 = arith.addi %add3A_190, %mul3A_189 : i32
      %swap3A_192 = arith.index_cast %add3A_191 : i32 to index
      %swap3A_193 = tpu.vector_load %arg10[%swap3A_192] {strides = array<i32>} : memref<512xf32, #tpu.memory_space<vmem>>, vector<16xf32>,
      tpu.vector_store %arg10[%swap3A_192], %div3A_145 {strides = array<i32>} : memref<512xf32, #tpu.memory_space<vmem>>, vector<16xf32>,
      %mul3A_194 = arith.constant 16 : i32
      %mul3A_195 = arith.muli %scan3A_69, %mul3A_194 : i32
      %add3A_196 = arith.constant 128 : i32
      %add3A_197 = arith.addi %add3A_196, %mul3A_195 : i32
      %swap3A_198 = arith.index_cast %add3A_197 : i32 to index
      %swap3A_199 = tpu.vector_load %arg10[%swap3A_198] {strides = array<i32>} : memref<512xf32, #tpu.memory_space<vmem>>, vector<16xf32>,
      tpu.vector_store %arg10[%swap3A_198], %div3A_159 {strides = array<i32>} : memref<512xf32, #tpu.memory_space<vmem>>, vector<16xf32>,
      %mul3A_200 = arith.constant 16 : i32
      %mul3A_201 = arith.muli %scan3A_69, %mul3A_200 : i32
      %add3A_202 = arith.constant 256 : i32
      %add3A_203 = arith.addi %add3A_202, %mul3A_201 : i32
      %swap3A_204 = arith.index_cast %add3A_203 : i32 to index
      %swap3A_205 = tpu.vector_load %arg10[%swap3A_204] {strides = array<i32>} : memref<512xf32, #tpu.memory_space<vmem>>, vector<16xf32>,
      tpu.vector_store %arg10[%swap3A_204], %div3A_173 {strides = array<i32>} : memref<512xf32, #tpu.memory_space<vmem>>, vector<16xf32>,
      %mul3A_206 = arith.constant 16 : i32
      %mul3A_207 = arith.muli %scan3A_69, %mul3A_206 : i32
      %add3A_208 = arith.constant 384 : i32
      %add3A_209 = arith.addi %add3A_208, %mul3A_207 : i32
      %swap3A_210 = arith.index_cast %add3A_209 : i32 to index
      %swap3A_211 = tpu.vector_load %arg10[%swap3A_210] {strides = array<i32>} : memref<512xf32, #tpu.memory_space<vmem>>, vector<16xf32>,
      tpu.vector_store %arg10[%swap3A_210], %div3A_187 {strides = array<i32>} : memref<512xf32, #tpu.memory_space<vmem>>, vector<16xf32>,
      %scan3A_212 = arith.constant 0 : i32
      scf.yield %scan3A_212 : i32
    }
    %scan3A_8 = arith.constant 8 : i32
    %broadcast_in_dim3A = arith.constant 1073741824 : i32
    %broadcast_in_dim3A_9 = vector.broadcast %broadcast_in_dim3A : i32 to vector<16xi32>
    %swap3A = arith.constant 128 : index
    %swap3A_10 = tpu.vector_load %arg9[%swap3A] {strides = array<i32>} : memref<144xi32, #tpu.memory_space<vmem>>, vector<16xi32>,
    tpu.vector_store %arg9[%swap3A], %broadcast_in_dim3A_9 {strides = array<i32>} : memref<144xi32, #tpu.memory_space<vmem>>, vector<16xi32>,
    %get3A = arith.constant 0 : index
    %get3A_11 = tpu.vector_load %arg8[%get3A] {strides = array<i32>} : memref<144xi32, #tpu.memory_space<vmem>>, vector<16xi32>,
    %get3A_12 = arith.constant 112 : index
    %get3A_13 = tpu.vector_load %arg8[%get3A_12] {strides = array<i32>} : memref<144xi32, #tpu.memory_space<vmem>>, vector<16xi32>,
    %slice3A = vector.extract_strided_slice %get3A_11 {offsets = [0], sizes = [1], strides = [1]} : vector<16xi32> to vector<1xi32>
    %squeeze3A = vector.extract %slice3A[0] : i32 from vector<1xi32>
    %shift_right_arithmetic3A = arith.constant 7 : i32
    %shift_right_arithmetic3A_14 = arith.shrsi %squeeze3A, %shift_right_arithmetic3A : i32
    %slice3A_15 = vector.extract_strided_slice %get3A_13 {offsets = [15], sizes = [1], strides = [1]} : vector<16xi32> to vector<1xi32>
    %squeeze3A_16 = vector.extract %slice3A_15[0] : i32 from vector<1xi32>
    %add3A_17 = arith.constant 3 : i32
    %add3A_18 = arith.addi %squeeze3A_16, %add3A_17 : i32
    %shift_right_arithmetic3A_19 = arith.constant 7 : i32
    %shift_right_arithmetic3A_20 = arith.shrsi %add3A_18, %shift_right_arithmetic3A_19 : i32
    %sub3A = arith.subi %shift_right_arithmetic3A_20, %shift_right_arithmetic3A_14 : i32
    %add3A_21 = arith.constant 1 : i32
    %add3A_22 = arith.addi %sub3A, %add3A_21 : i32
    %lt3A = arith.constant 0 : i32
    %lt3A_23 = arith.cmpi slt, %lt3A, %add3A_22 : i32
    %convert_element_type3A = arith.extui %lt3A_23 : i1 to i32
    %cond3A = arith.constant 0 : i32
    %cond3A_24 = arith.cmpi ne, %convert_element_type3A, %cond3A : i32
    scf.if %cond3A_24 {
      %add3A_69 = arith.constant 0 : i32
      %add3A_70 = arith.addi %shift_right_arithmetic3A_14, %add3A_69 : i32
      %mul3A_71 = arith.constant 128 : i32
      %mul3A_72 = arith.muli %add3A_70, %mul3A_71 : i32
      %multiple_of3A = tpu.assume_multiple %mul3A_72, 128 : i32
      %and3A = arith.constant 0 : i32
      %and3A_73 = arith.constant 7 : i32
      %and3A_74 = arith.andi %and3A, %and3A_73 : i32
      %and3A_75 = arith.constant 0 : i32
      %and3A_76 = arith.constant 7 : i32
      %and3A_77 = arith.andi %and3A_75, %and3A_76 : i32
      %dma_start3A_78 = arith.constant 0 : i32
      %dma_start3A_79 = arith.constant 0 : i32
      %dma_start3A_80 = tpu.memref_slice %arg11[%and3A_74, %dma_start3A_78, %dma_start3A_79] : memref<8x64x128xf32, #tpu.memory_space<vmem>> -> memref<1x64x128xf32, #tpu.memory_space<vmem>>
      %dma_start3A_81 = tpu.memref_squeeze %dma_start3A_80 : memref<1x64x128xf32, #tpu.memory_space<vmem>> -> memref<64x128xf32, #tpu.memory_space<vmem>>
      %dma_start3A_82 = arith.constant 0 : i32
      %dma_start3A_83 = tpu.memref_slice %arg4[%dma_start3A_82, %multiple_of3A] : memref<64x300001xf32, #tpu.memory_space<hbm>> -> memref<64x128xf32, #tpu.memory_space<hbm>>
      %dma_start3A_84 = tpu.memref_slice %arg13[%and3A_77] : memref<8x!tpu.dma_semaphore, #tpu.memory_space<semaphore_mem>> -> memref<1x!tpu.dma_semaphore, #tpu.memory_space<semaphore_mem>>
      %dma_start3A_85 = tpu.memref_squeeze %dma_start3A_84 : memref<1x!tpu.dma_semaphore, #tpu.memory_space<semaphore_mem>> -> memref<!tpu.dma_semaphore, #tpu.memory_space<semaphore_mem>>
      %dma_start3A_86 = arith.constant 0 : i32
      %dma_start3A_87 = arith.constant 0 : i32
      %dma_start3A_88 = tpu.memref_slice %arg11[%and3A_74, %dma_start3A_86, %dma_start3A_87] : memref<8x64x128xf32, #tpu.memory_space<vmem>> -> memref<1x64x128xf32, #tpu.memory_space<vmem>>
      %dma_start3A_89 = tpu.memref_squeeze %dma_start3A_88 : memref<1x64x128xf32, #tpu.memory_space<vmem>> -> memref<64x128xf32, #tpu.memory_space<vmem>>
      %dma_start3A_90 = arith.constant 0 : i32
      %dma_start3A_91 = tpu.memref_slice %arg4[%dma_start3A_90, %multiple_of3A] : memref<64x300001xf32, #tpu.memory_space<hbm>> -> memref<64x128xf32, #tpu.memory_space<hbm>>
      tpu.enqueue_dma source(%dma_start3A_91 : memref<64x128xf32, #tpu.memory_space<hbm>>) target(%dma_start3A_89 : memref<64x128xf32, #tpu.memory_space<vmem>>) target_semaphore(%dma_start3A_85 : memref<!tpu.dma_semaphore, #tpu.memory_space<semaphore_mem>>)
    } else {
    }
    %lt3A_25 = arith.constant 1 : i32
    %lt3A_26 = arith.cmpi slt, %lt3A_25, %add3A_22 : i32
    %convert_element_type3A_27 = arith.extui %lt3A_26 : i1 to i32
    %cond3A_28 = arith.constant 0 : i32
    %cond3A_29 = arith.cmpi ne, %convert_element_type3A_27, %cond3A_28 : i32
    scf.if %cond3A_29 {
      %add3A_69 = arith.constant 1 : i32
      %add3A_70 = arith.addi %shift_right_arithmetic3A_14, %add3A_69 : i32
      %mul3A_71 = arith.constant 128 : i32
      %mul3A_72 = arith.muli %add3A_70, %mul3A_71 : i32
      %multiple_of3A = tpu.assume_multiple %mul3A_72, 128 : i32
      %and3A = arith.constant 1 : i32
      %and3A_73 = arith.constant 7 : i32
      %and3A_74 = arith.andi %and3A, %and3A_73 : i32
      %and3A_75 = arith.constant 1 : i32
      %and3A_76 = arith.constant 7 : i32
      %and3A_77 = arith.andi %and3A_75, %and3A_76 : i32
      %dma_start3A_78 = arith.constant 0 : i32
      %dma_start3A_79 = arith.constant 0 : i32
      %dma_start3A_80 = tpu.memref_slice %arg11[%and3A_74, %dma_start3A_78, %dma_start3A_79] : memref<8x64x128xf32, #tpu.memory_space<vmem>> -> memref<1x64x128xf32, #tpu.memory_space<vmem>>
      %dma_start3A_81 = tpu.memref_squeeze %dma_start3A_80 : memref<1x64x128xf32, #tpu.memory_space<vmem>> -> memref<64x128xf32, #tpu.memory_space<vmem>>
      %dma_start3A_82 = arith.constant 0 : i32
      %dma_start3A_83 = tpu.memref_slice %arg4[%dma_start3A_82, %multiple_of3A] : memref<64x300001xf32, #tpu.memory_space<hbm>> -> memref<64x128xf32, #tpu.memory_space<hbm>>
      %dma_start3A_84 = tpu.memref_slice %arg13[%and3A_77] : memref<8x!tpu.dma_semaphore, #tpu.memory_space<semaphore_mem>> -> memref<1x!tpu.dma_semaphore, #tpu.memory_space<semaphore_mem>>
      %dma_start3A_85 = tpu.memref_squeeze %dma_start3A_84 : memref<1x!tpu.dma_semaphore, #tpu.memory_space<semaphore_mem>> -> memref<!tpu.dma_semaphore, #tpu.memory_space<semaphore_mem>>
      %dma_start3A_86 = arith.constant 0 : i32
      %dma_start3A_87 = arith.constant 0 : i32
      %dma_start3A_88 = tpu.memref_slice %arg11[%and3A_74, %dma_start3A_86, %dma_start3A_87] : memref<8x64x128xf32, #tpu.memory_space<vmem>> -> memref<1x64x128xf32, #tpu.memory_space<vmem>>
      %dma_start3A_89 = tpu.memref_squeeze %dma_start3A_88 : memref<1x64x128xf32, #tpu.memory_space<vmem>> -> memref<64x128xf32, #tpu.memory_space<vmem>>
      %dma_start3A_90 = arith.constant 0 : i32
      %dma_start3A_91 = tpu.memref_slice %arg4[%dma_start3A_90, %multiple_of3A] : memref<64x300001xf32, #tpu.memory_space<hbm>> -> memref<64x128xf32, #tpu.memory_space<hbm>>
      tpu.enqueue_dma source(%dma_start3A_91 : memref<64x128xf32, #tpu.memory_space<hbm>>) target(%dma_start3A_89 : memref<64x128xf32, #tpu.memory_space<vmem>>) target_semaphore(%dma_start3A_85 : memref<!tpu.dma_semaphore, #tpu.memory_space<semaphore_mem>>)
    } else {
    }
    %lt3A_30 = arith.constant 2 : i32
    %lt3A_31 = arith.cmpi slt, %lt3A_30, %add3A_22 : i32
    %convert_element_type3A_32 = arith.extui %lt3A_31 : i1 to i32
    %cond3A_33 = arith.constant 0 : i32
    %cond3A_34 = arith.cmpi ne, %convert_element_type3A_32, %cond3A_33 : i32
    scf.if %cond3A_34 {
      %add3A_69 = arith.constant 2 : i32
      %add3A_70 = arith.addi %shift_right_arithmetic3A_14, %add3A_69 : i32
      %mul3A_71 = arith.constant 128 : i32
      %mul3A_72 = arith.muli %add3A_70, %mul3A_71 : i32
      %multiple_of3A = tpu.assume_multiple %mul3A_72, 128 : i32
      %and3A = arith.constant 2 : i32
      %and3A_73 = arith.constant 7 : i32
      %and3A_74 = arith.andi %and3A, %and3A_73 : i32
      %and3A_75 = arith.constant 2 : i32
      %and3A_76 = arith.constant 7 : i32
      %and3A_77 = arith.andi %and3A_75, %and3A_76 : i32
      %dma_start3A_78 = arith.constant 0 : i32
      %dma_start3A_79 = arith.constant 0 : i32
      %dma_start3A_80 = tpu.memref_slice %arg11[%and3A_74, %dma_start3A_78, %dma_start3A_79] : memref<8x64x128xf32, #tpu.memory_space<vmem>> -> memref<1x64x128xf32, #tpu.memory_space<vmem>>
      %dma_start3A_81 = tpu.memref_squeeze %dma_start3A_80 : memref<1x64x128xf32, #tpu.memory_space<vmem>> -> memref<64x128xf32, #tpu.memory_space<vmem>>
      %dma_start3A_82 = arith.constant 0 : i32
      %dma_start3A_83 = tpu.memref_slice %arg4[%dma_start3A_82, %multiple_of3A] : memref<64x300001xf32, #tpu.memory_space<hbm>> -> memref<64x128xf32, #tpu.memory_space<hbm>>
      %dma_start3A_84 = tpu.memref_slice %arg13[%and3A_77] : memref<8x!tpu.dma_semaphore, #tpu.memory_space<semaphore_mem>> -> memref<1x!tpu.dma_semaphore, #tpu.memory_space<semaphore_mem>>
      %dma_start3A_85 = tpu.memref_squeeze %dma_start3A_84 : memref<1x!tpu.dma_semaphore, #tpu.memory_space<semaphore_mem>> -> memref<!tpu.dma_semaphore, #tpu.memory_space<semaphore_mem>>
      %dma_start3A_86 = arith.constant 0 : i32
      %dma_start3A_87 = arith.constant 0 : i32
      %dma_start3A_88 = tpu.memref_slice %arg11[%and3A_74, %dma_start3A_86, %dma_start3A_87] : memref<8x64x128xf32, #tpu.memory_space<vmem>> -> memref<1x64x128xf32, #tpu.memory_space<vmem>>
      %dma_start3A_89 = tpu.memref_squeeze %dma_start3A_88 : memref<1x64x128xf32, #tpu.memory_space<vmem>> -> memref<64x128xf32, #tpu.memory_space<vmem>>
      %dma_start3A_90 = arith.constant 0 : i32
      %dma_start3A_91 = tpu.memref_slice %arg4[%dma_start3A_90, %multiple_of3A] : memref<64x300001xf32, #tpu.memory_space<hbm>> -> memref<64x128xf32, #tpu.memory_space<hbm>>
      tpu.enqueue_dma source(%dma_start3A_91 : memref<64x128xf32, #tpu.memory_space<hbm>>) target(%dma_start3A_89 : memref<64x128xf32, #tpu.memory_space<vmem>>) target_semaphore(%dma_start3A_85 : memref<!tpu.dma_semaphore, #tpu.memory_space<semaphore_mem>>)
    } else {
    }
    %lt3A_35 = arith.constant 3 : i32
    %lt3A_36 = arith.cmpi slt, %lt3A_35, %add3A_22 : i32
    %convert_element_type3A_37 = arith.extui %lt3A_36 : i1 to i32
    %cond3A_38 = arith.constant 0 : i32
    %cond3A_39 = arith.cmpi ne, %convert_element_type3A_37, %cond3A_38 : i32
    scf.if %cond3A_39 {
      %add3A_69 = arith.constant 3 : i32
      %add3A_70 = arith.addi %shift_right_arithmetic3A_14, %add3A_69 : i32
      %mul3A_71 = arith.constant 128 : i32
      %mul3A_72 = arith.muli %add3A_70, %mul3A_71 : i32
      %multiple_of3A = tpu.assume_multiple %mul3A_72, 128 : i32
      %and3A = arith.constant 3 : i32
      %and3A_73 = arith.constant 7 : i32
      %and3A_74 = arith.andi %and3A, %and3A_73 : i32
      %and3A_75 = arith.constant 3 : i32
      %and3A_76 = arith.constant 7 : i32
      %and3A_77 = arith.andi %and3A_75, %and3A_76 : i32
      %dma_start3A_78 = arith.constant 0 : i32
      %dma_start3A_79 = arith.constant 0 : i32
      %dma_start3A_80 = tpu.memref_slice %arg11[%and3A_74, %dma_start3A_78, %dma_start3A_79] : memref<8x64x128xf32, #tpu.memory_space<vmem>> -> memref<1x64x128xf32, #tpu.memory_space<vmem>>
      %dma_start3A_81 = tpu.memref_squeeze %dma_start3A_80 : memref<1x64x128xf32, #tpu.memory_space<vmem>> -> memref<64x128xf32, #tpu.memory_space<vmem>>
      %dma_start3A_82 = arith.constant 0 : i32
      %dma_start3A_83 = tpu.memref_slice %arg4[%dma_start3A_82, %multiple_of3A] : memref<64x300001xf32, #tpu.memory_space<hbm>> -> memref<64x128xf32, #tpu.memory_space<hbm>>
      %dma_start3A_84 = tpu.memref_slice %arg13[%and3A_77] : memref<8x!tpu.dma_semaphore, #tpu.memory_space<semaphore_mem>> -> memref<1x!tpu.dma_semaphore, #tpu.memory_space<semaphore_mem>>
      %dma_start3A_85 = tpu.memref_squeeze %dma_start3A_84 : memref<1x!tpu.dma_semaphore, #tpu.memory_space<semaphore_mem>> -> memref<!tpu.dma_semaphore, #tpu.memory_space<semaphore_mem>>
      %dma_start3A_86 = arith.constant 0 : i32
      %dma_start3A_87 = arith.constant 0 : i32
      %dma_start3A_88 = tpu.memref_slice %arg11[%and3A_74, %dma_start3A_86, %dma_start3A_87] : memref<8x64x128xf32, #tpu.memory_space<vmem>> -> memref<1x64x128xf32, #tpu.memory_space<vmem>>
      %dma_start3A_89 = tpu.memref_squeeze %dma_start3A_88 : memref<1x64x128xf32, #tpu.memory_space<vmem>> -> memref<64x128xf32, #tpu.memory_space<vmem>>
      %dma_start3A_90 = arith.constant 0 : i32
      %dma_start3A_91 = tpu.memref_slice %arg4[%dma_start3A_90, %multiple_of3A] : memref<64x300001xf32, #tpu.memory_space<hbm>> -> memref<64x128xf32, #tpu.memory_space<hbm>>
      tpu.enqueue_dma source(%dma_start3A_91 : memref<64x128xf32, #tpu.memory_space<hbm>>) target(%dma_start3A_89 : memref<64x128xf32, #tpu.memory_space<vmem>>) target_semaphore(%dma_start3A_85 : memref<!tpu.dma_semaphore, #tpu.memory_space<semaphore_mem>>)
    } else {
    }
    %lt3A_40 = arith.constant 4 : i32
    %lt3A_41 = arith.cmpi slt, %lt3A_40, %add3A_22 : i32
    %convert_element_type3A_42 = arith.extui %lt3A_41 : i1 to i32
    %cond3A_43 = arith.constant 0 : i32
    %cond3A_44 = arith.cmpi ne, %convert_element_type3A_42, %cond3A_43 : i32
    scf.if %cond3A_44 {
      %add3A_69 = arith.constant 4 : i32
      %add3A_70 = arith.addi %shift_right_arithmetic3A_14, %add3A_69 : i32
      %mul3A_71 = arith.constant 128 : i32
      %mul3A_72 = arith.muli %add3A_70, %mul3A_71 : i32
      %multiple_of3A = tpu.assume_multiple %mul3A_72, 128 : i32
      %and3A = arith.constant 4 : i32
      %and3A_73 = arith.constant 7 : i32
      %and3A_74 = arith.andi %and3A, %and3A_73 : i32
      %and3A_75 = arith.constant 4 : i32
      %and3A_76 = arith.constant 7 : i32
      %and3A_77 = arith.andi %and3A_75, %and3A_76 : i32
      %dma_start3A_78 = arith.constant 0 : i32
      %dma_start3A_79 = arith.constant 0 : i32
      %dma_start3A_80 = tpu.memref_slice %arg11[%and3A_74, %dma_start3A_78, %dma_start3A_79] : memref<8x64x128xf32, #tpu.memory_space<vmem>> -> memref<1x64x128xf32, #tpu.memory_space<vmem>>
      %dma_start3A_81 = tpu.memref_squeeze %dma_start3A_80 : memref<1x64x128xf32, #tpu.memory_space<vmem>> -> memref<64x128xf32, #tpu.memory_space<vmem>>
      %dma_start3A_82 = arith.constant 0 : i32
      %dma_start3A_83 = tpu.memref_slice %arg4[%dma_start3A_82, %multiple_of3A] : memref<64x300001xf32, #tpu.memory_space<hbm>> -> memref<64x128xf32, #tpu.memory_space<hbm>>
      %dma_start3A_84 = tpu.memref_slice %arg13[%and3A_77] : memref<8x!tpu.dma_semaphore, #tpu.memory_space<semaphore_mem>> -> memref<1x!tpu.dma_semaphore, #tpu.memory_space<semaphore_mem>>
      %dma_start3A_85 = tpu.memref_squeeze %dma_start3A_84 : memref<1x!tpu.dma_semaphore, #tpu.memory_space<semaphore_mem>> -> memref<!tpu.dma_semaphore, #tpu.memory_space<semaphore_mem>>
      %dma_start3A_86 = arith.constant 0 : i32
      %dma_start3A_87 = arith.constant 0 : i32
      %dma_start3A_88 = tpu.memref_slice %arg11[%and3A_74, %dma_start3A_86, %dma_start3A_87] : memref<8x64x128xf32, #tpu.memory_space<vmem>> -> memref<1x64x128xf32, #tpu.memory_space<vmem>>
      %dma_start3A_89 = tpu.memref_squeeze %dma_start3A_88 : memref<1x64x128xf32, #tpu.memory_space<vmem>> -> memref<64x128xf32, #tpu.memory_space<vmem>>
      %dma_start3A_90 = arith.constant 0 : i32
      %dma_start3A_91 = tpu.memref_slice %arg4[%dma_start3A_90, %multiple_of3A] : memref<64x300001xf32, #tpu.memory_space<hbm>> -> memref<64x128xf32, #tpu.memory_space<hbm>>
      tpu.enqueue_dma source(%dma_start3A_91 : memref<64x128xf32, #tpu.memory_space<hbm>>) target(%dma_start3A_89 : memref<64x128xf32, #tpu.memory_space<vmem>>) target_semaphore(%dma_start3A_85 : memref<!tpu.dma_semaphore, #tpu.memory_space<semaphore_mem>>)
    } else {
    }
    %lt3A_45 = arith.constant 5 : i32
    %lt3A_46 = arith.cmpi slt, %lt3A_45, %add3A_22 : i32
    %convert_element_type3A_47 = arith.extui %lt3A_46 : i1 to i32
    %cond3A_48 = arith.constant 0 : i32
    %cond3A_49 = arith.cmpi ne, %convert_element_type3A_47, %cond3A_48 : i32
    scf.if %cond3A_49 {
      %add3A_69 = arith.constant 5 : i32
      %add3A_70 = arith.addi %shift_right_arithmetic3A_14, %add3A_69 : i32
      %mul3A_71 = arith.constant 128 : i32
      %mul3A_72 = arith.muli %add3A_70, %mul3A_71 : i32
      %multiple_of3A = tpu.assume_multiple %mul3A_72, 128 : i32
      %and3A = arith.constant 5 : i32
      %and3A_73 = arith.constant 7 : i32
      %and3A_74 = arith.andi %and3A, %and3A_73 : i32
      %and3A_75 = arith.constant 5 : i32
      %and3A_76 = arith.constant 7 : i32
      %and3A_77 = arith.andi %and3A_75, %and3A_76 : i32
      %dma_start3A_78 = arith.constant 0 : i32
      %dma_start3A_79 = arith.constant 0 : i32
      %dma_start3A_80 = tpu.memref_slice %arg11[%and3A_74, %dma_start3A_78, %dma_start3A_79] : memref<8x64x128xf32, #tpu.memory_space<vmem>> -> memref<1x64x128xf32, #tpu.memory_space<vmem>>
      %dma_start3A_81 = tpu.memref_squeeze %dma_start3A_80 : memref<1x64x128xf32, #tpu.memory_space<vmem>> -> memref<64x128xf32, #tpu.memory_space<vmem>>
      %dma_start3A_82 = arith.constant 0 : i32
      %dma_start3A_83 = tpu.memref_slice %arg4[%dma_start3A_82, %multiple_of3A] : memref<64x300001xf32, #tpu.memory_space<hbm>> -> memref<64x128xf32, #tpu.memory_space<hbm>>
      %dma_start3A_84 = tpu.memref_slice %arg13[%and3A_77] : memref<8x!tpu.dma_semaphore, #tpu.memory_space<semaphore_mem>> -> memref<1x!tpu.dma_semaphore, #tpu.memory_space<semaphore_mem>>
      %dma_start3A_85 = tpu.memref_squeeze %dma_start3A_84 : memref<1x!tpu.dma_semaphore, #tpu.memory_space<semaphore_mem>> -> memref<!tpu.dma_semaphore, #tpu.memory_space<semaphore_mem>>
      %dma_start3A_86 = arith.constant 0 : i32
      %dma_start3A_87 = arith.constant 0 : i32
      %dma_start3A_88 = tpu.memref_slice %arg11[%and3A_74, %dma_start3A_86, %dma_start3A_87] : memref<8x64x128xf32, #tpu.memory_space<vmem>> -> memref<1x64x128xf32, #tpu.memory_space<vmem>>
      %dma_start3A_89 = tpu.memref_squeeze %dma_start3A_88 : memref<1x64x128xf32, #tpu.memory_space<vmem>> -> memref<64x128xf32, #tpu.memory_space<vmem>>
      %dma_start3A_90 = arith.constant 0 : i32
      %dma_start3A_91 = tpu.memref_slice %arg4[%dma_start3A_90, %multiple_of3A] : memref<64x300001xf32, #tpu.memory_space<hbm>> -> memref<64x128xf32, #tpu.memory_space<hbm>>
      tpu.enqueue_dma source(%dma_start3A_91 : memref<64x128xf32, #tpu.memory_space<hbm>>) target(%dma_start3A_89 : memref<64x128xf32, #tpu.memory_space<vmem>>) target_semaphore(%dma_start3A_85 : memref<!tpu.dma_semaphore, #tpu.memory_space<semaphore_mem>>)
    } else {
    }
    %broadcast_in_dim3A_50 = arith.constant 0 : i32
    %broadcast_in_dim3A_51 = vector.broadcast %broadcast_in_dim3A_50 : i32 to vector<16xi32>
    %gather3A = tpu.vector_load_idx %arg9[%broadcast_in_dim3A_51] : memref<144xi32, #tpu.memory_space<vmem>>[vector<16xi32>], vector<16xi32>,
    %slice3A_52 = vector.extract_strided_slice %gather3A {offsets = [0], sizes = [1], strides = [1]} : vector<16xi32> to vector<1xi32>
    %squeeze3A_53 = vector.extract %slice3A_52[0] : i32 from vector<1xi32>
    %while3A = arith.constant 0 : i32
    %while3A_54 = arith.constant 0 : i32
    %while3A_55 = arith.subi %add3A_22, %while3A : i32
    %while3A_56 = arith.addi %while3A, %while3A_55 : i32
    %while3A_57 = arith.constant 1 : i32
    %while3A_58 = arith.divsi %while3A_55, %while3A_57 : i32
    %while3A_59 = arith.muli %while3A_58, %while3A_57 : i32
    %while3A_60 = arith.addi %while3A, %while3A_59 : i32
    %while3A_61 = arith.constant 1 : i32
    %while3A_62:2 = scf.for %while3A_69 = %while3A to %while3A_60 step %while3A_61 iter_args(%while3A_70 = %while3A_54, %while3A_71 = %squeeze3A_53) -> (i32, i32)  : i32 {
      %add3A_72 = arith.constant 6 : i32
      %add3A_73 = arith.addi %while3A_69, %add3A_72 : i32
      %lt3A_74 = arith.cmpi slt, %add3A_73, %add3A_22 : i32
      %convert_element_type3A_75 = arith.extui %lt3A_74 : i1 to i32
      %cond3A_76 = arith.constant 0 : i32
      %cond3A_77 = arith.cmpi ne, %convert_element_type3A_75, %cond3A_76 : i32
      scf.if %cond3A_77 {
        %add3A_96 = arith.constant 6 : i32
        %add3A_97 = arith.addi %while3A_69, %add3A_96 : i32
        %add3A_98 = arith.addi %shift_right_arithmetic3A_14, %add3A_97 : i32
        %mul3A_99 = arith.constant 128 : i32
        %mul3A_100 = arith.muli %add3A_98, %mul3A_99 : i32
        %multiple_of3A = tpu.assume_multiple %mul3A_100, 128 : i32
        %and3A_101 = arith.constant 7 : i32
        %and3A_102 = arith.andi %add3A_97, %and3A_101 : i32
        %and3A_103 = arith.constant 7 : i32
        %and3A_104 = arith.andi %add3A_97, %and3A_103 : i32
        %dma_start3A_105 = arith.constant 0 : i32
        %dma_start3A_106 = arith.constant 0 : i32
        %dma_start3A_107 = tpu.memref_slice %arg11[%and3A_102, %dma_start3A_105, %dma_start3A_106] : memref<8x64x128xf32, #tpu.memory_space<vmem>> -> memref<1x64x128xf32, #tpu.memory_space<vmem>>
        %dma_start3A_108 = tpu.memref_squeeze %dma_start3A_107 : memref<1x64x128xf32, #tpu.memory_space<vmem>> -> memref<64x128xf32, #tpu.memory_space<vmem>>
        %dma_start3A_109 = arith.constant 0 : i32
        %dma_start3A_110 = tpu.memref_slice %arg4[%dma_start3A_109, %multiple_of3A] : memref<64x300001xf32, #tpu.memory_space<hbm>> -> memref<64x128xf32, #tpu.memory_space<hbm>>
        %dma_start3A_111 = tpu.memref_slice %arg13[%and3A_104] : memref<8x!tpu.dma_semaphore, #tpu.memory_space<semaphore_mem>> -> memref<1x!tpu.dma_semaphore, #tpu.memory_space<semaphore_mem>>
        %dma_start3A_112 = tpu.memref_squeeze %dma_start3A_111 : memref<1x!tpu.dma_semaphore, #tpu.memory_space<semaphore_mem>> -> memref<!tpu.dma_semaphore, #tpu.memory_space<semaphore_mem>>
        %dma_start3A_113 = arith.constant 0 : i32
        %dma_start3A_114 = arith.constant 0 : i32
        %dma_start3A_115 = tpu.memref_slice %arg11[%and3A_102, %dma_start3A_113, %dma_start3A_114] : memref<8x64x128xf32, #tpu.memory_space<vmem>> -> memref<1x64x128xf32, #tpu.memory_space<vmem>>
        %dma_start3A_116 = tpu.memref_squeeze %dma_start3A_115 : memref<1x64x128xf32, #tpu.memory_space<vmem>> -> memref<64x128xf32, #tpu.memory_space<vmem>>
        %dma_start3A_117 = arith.constant 0 : i32
        %dma_start3A_118 = tpu.memref_slice %arg4[%dma_start3A_117, %multiple_of3A] : memref<64x300001xf32, #tpu.memory_space<hbm>> -> memref<64x128xf32, #tpu.memory_space<hbm>>
        tpu.enqueue_dma source(%dma_start3A_118 : memref<64x128xf32, #tpu.memory_space<hbm>>) target(%dma_start3A_116 : memref<64x128xf32, #tpu.memory_space<vmem>>) target_semaphore(%dma_start3A_112 : memref<!tpu.dma_semaphore, #tpu.memory_space<semaphore_mem>>)
      } else {
      }
      %and3A = arith.constant 7 : i32
      %and3A_78 = arith.andi %while3A_69, %and3A : i32
      %dma_wait3A_79 = arith.constant 0 : i32
      %dma_wait3A_80 = arith.constant 0 : i32
      %dma_wait3A_81 = tpu.memref_slice %arg11[%and3A_78, %dma_wait3A_79, %dma_wait3A_80] : memref<8x64x128xf32, #tpu.memory_space<vmem>> -> memref<1x64x128xf32, #tpu.memory_space<vmem>>
      %dma_wait3A_82 = tpu.memref_squeeze %dma_wait3A_81 : memref<1x64x128xf32, #tpu.memory_space<vmem>> -> memref<64x128xf32, #tpu.memory_space<vmem>>
      %dma_wait3A_83 = arith.constant 0 : i32
      %dma_wait3A_84 = arith.constant 0 : i32
      %dma_wait3A_85 = tpu.memref_slice %arg4[%dma_wait3A_83, %dma_wait3A_84] : memref<64x300001xf32, #tpu.memory_space<hbm>> -> memref<64x128xf32, #tpu.memory_space<hbm>>
      %dma_wait3A_86 = tpu.memref_slice %arg13[%and3A_78] : memref<8x!tpu.dma_semaphore, #tpu.memory_space<semaphore_mem>> -> memref<1x!tpu.dma_semaphore, #tpu.memory_space<semaphore_mem>>
      %dma_wait3A_87 = tpu.memref_squeeze %dma_wait3A_86 : memref<1x!tpu.dma_semaphore, #tpu.memory_space<semaphore_mem>> -> memref<!tpu.dma_semaphore, #tpu.memory_space<semaphore_mem>>
      %dma_wait3A_88 = arith.constant 0 : i32
      %dma_wait3A_89 = arith.constant 0 : i32
      %dma_wait3A_90 = tpu.memref_slice %arg11[%and3A_78, %dma_wait3A_88, %dma_wait3A_89] : memref<8x64x128xf32, #tpu.memory_space<vmem>> -> memref<1x64x128xf32, #tpu.memory_space<vmem>>
      %dma_wait3A_91 = tpu.memref_squeeze %dma_wait3A_90 : memref<1x64x128xf32, #tpu.memory_space<vmem>> -> memref<64x128xf32, #tpu.memory_space<vmem>>
      %dma_wait3A_92 = arith.constant 0 : i32
      %dma_wait3A_93 = arith.constant 0 : i32
      %dma_wait3A_94 = tpu.memref_slice %arg4[%dma_wait3A_92, %dma_wait3A_93] : memref<64x300001xf32, #tpu.memory_space<hbm>> -> memref<64x128xf32, #tpu.memory_space<hbm>>
      tpu.wait_dma2 semaphore(%dma_wait3A_87 : memref<!tpu.dma_semaphore, #tpu.memory_space<semaphore_mem>>) src(%dma_wait3A_94 : memref<64x128xf32, #tpu.memory_space<hbm>>) dst(%dma_wait3A_91 : memref<64x128xf32, #tpu.memory_space<vmem>>)
      %while3A_95:2 = scf.while (%while3A_96 = %while3A_70, %while3A_97 = %while3A_71) : (i32, i32) -> (i32, i32) {
        %add3A_98 = arith.addi %shift_right_arithmetic3A_14, %while3A_69 : i32
        %eq3A = arith.cmpi eq, %while3A_97, %add3A_98 : i32
        scf.condition(%eq3A) %while3A_96, %while3A_97 : i32, i32
      } do {
      ^bb0(%while3A_96: i32, %while3A_97: i32):
        %broadcast_in_dim3A_98 = vector.broadcast %while3A_96 : i32 to vector<16xi32>
        %gather3A_99 = tpu.vector_load_idx %arg8[%broadcast_in_dim3A_98] : memref<144xi32, #tpu.memory_space<vmem>>[vector<16xi32>], vector<16xi32>,
        %add3A_100 = arith.constant 0 : i32
        %add3A_101 = vector.broadcast %add3A_100 : i32 to vector<16xi32>
        %add3A_102 = arith.addi %broadcast_in_dim3A_98, %add3A_101 : vector<16xi32>
        %gather3A_103 = tpu.vector_load_idx %arg10[%add3A_102] : memref<512xf32, #tpu.memory_space<vmem>>[vector<16xi32>], vector<16xf32>,
        %add3A_104 = arith.constant 128 : i32
        %add3A_105 = vector.broadcast %add3A_104 : i32 to vector<16xi32>
        %add3A_106 = arith.addi %broadcast_in_dim3A_98, %add3A_105 : vector<16xi32>
        %gather3A_107 = tpu.vector_load_idx %arg10[%add3A_106] : memref<512xf32, #tpu.memory_space<vmem>>[vector<16xi32>], vector<16xf32>,
        %add3A_108 = arith.constant 256 : i32
        %add3A_109 = vector.broadcast %add3A_108 : i32 to vector<16xi32>
        %add3A_110 = arith.addi %broadcast_in_dim3A_98, %add3A_109 : vector<16xi32>
        %gather3A_111 = tpu.vector_load_idx %arg10[%add3A_110] : memref<512xf32, #tpu.memory_space<vmem>>[vector<16xi32>], vector<16xf32>,
        %add3A_112 = arith.constant 384 : i32
        %add3A_113 = vector.broadcast %add3A_112 : i32 to vector<16xi32>
        %add3A_114 = arith.addi %broadcast_in_dim3A_98, %add3A_113 : vector<16xi32>
        %gather3A_115 = tpu.vector_load_idx %arg10[%add3A_114] : memref<512xf32, #tpu.memory_space<vmem>>[vector<16xi32>], vector<16xf32>,
        %add3A_116 = arith.constant 0 : i32
        %add3A_117 = vector.broadcast %add3A_116 : i32 to vector<16xi32>
        %add3A_118 = arith.addi %gather3A_99, %add3A_117 : vector<16xi32>
        %shift_right_arithmetic3A_119 = arith.constant 7 : i32
        %shift_right_arithmetic3A_120 = vector.broadcast %shift_right_arithmetic3A_119 : i32 to vector<16xi32>
        %shift_right_arithmetic3A_121 = arith.shrsi %add3A_118, %shift_right_arithmetic3A_120 : vector<16xi32>
        %sub3A_122 = vector.broadcast %shift_right_arithmetic3A_14 : i32 to vector<16xi32>
        %sub3A_123 = arith.subi %shift_right_arithmetic3A_121, %sub3A_122 : vector<16xi32>
        %and3A_124 = arith.constant 7 : i32
        %and3A_125 = vector.broadcast %and3A_124 : i32 to vector<16xi32>
        %and3A_126 = arith.andi %sub3A_123, %and3A_125 : vector<16xi32>
        %and3A_127 = arith.constant 127 : i32
        %and3A_128 = vector.broadcast %and3A_127 : i32 to vector<16xi32>
        %and3A_129 = arith.andi %add3A_118, %and3A_128 : vector<16xi32>
        %add3A_130 = arith.constant 1 : i32
        %add3A_131 = vector.broadcast %add3A_130 : i32 to vector<16xi32>
        %add3A_132 = arith.addi %gather3A_99, %add3A_131 : vector<16xi32>
        %shift_right_arithmetic3A_133 = arith.constant 7 : i32
        %shift_right_arithmetic3A_134 = vector.broadcast %shift_right_arithmetic3A_133 : i32 to vector<16xi32>
        %shift_right_arithmetic3A_135 = arith.shrsi %add3A_132, %shift_right_arithmetic3A_134 : vector<16xi32>
        %sub3A_136 = vector.broadcast %shift_right_arithmetic3A_14 : i32 to vector<16xi32>
        %sub3A_137 = arith.subi %shift_right_arithmetic3A_135, %sub3A_136 : vector<16xi32>
        %and3A_138 = arith.constant 7 : i32
        %and3A_139 = vector.broadcast %and3A_138 : i32 to vector<16xi32>
        %and3A_140 = arith.andi %sub3A_137, %and3A_139 : vector<16xi32>
        %and3A_141 = arith.constant 127 : i32
        %and3A_142 = vector.broadcast %and3A_141 : i32 to vector<16xi32>
        %and3A_143 = arith.andi %add3A_132, %and3A_142 : vector<16xi32>
        %add3A_144 = arith.constant 2 : i32
        %add3A_145 = vector.broadcast %add3A_144 : i32 to vector<16xi32>
        %add3A_146 = arith.addi %gather3A_99, %add3A_145 : vector<16xi32>
        %shift_right_arithmetic3A_147 = arith.constant 7 : i32
        %shift_right_arithmetic3A_148 = vector.broadcast %shift_right_arithmetic3A_147 : i32 to vector<16xi32>
        %shift_right_arithmetic3A_149 = arith.shrsi %add3A_146, %shift_right_arithmetic3A_148 : vector<16xi32>
        %sub3A_150 = vector.broadcast %shift_right_arithmetic3A_14 : i32 to vector<16xi32>
        %sub3A_151 = arith.subi %shift_right_arithmetic3A_149, %sub3A_150 : vector<16xi32>
        %and3A_152 = arith.constant 7 : i32
        %and3A_153 = vector.broadcast %and3A_152 : i32 to vector<16xi32>
        %and3A_154 = arith.andi %sub3A_151, %and3A_153 : vector<16xi32>
        %and3A_155 = arith.constant 127 : i32
        %and3A_156 = vector.broadcast %and3A_155 : i32 to vector<16xi32>
        %and3A_157 = arith.andi %add3A_146, %and3A_156 : vector<16xi32>
        %add3A_158 = arith.constant 3 : i32
        %add3A_159 = vector.broadcast %add3A_158 : i32 to vector<16xi32>
        %add3A_160 = arith.addi %gather3A_99, %add3A_159 : vector<16xi32>
        %shift_right_arithmetic3A_161 = arith.constant 7 : i32
        %shift_right_arithmetic3A_162 = vector.broadcast %shift_right_arithmetic3A_161 : i32 to vector<16xi32>
        %shift_right_arithmetic3A_163 = arith.shrsi %add3A_160, %shift_right_arithmetic3A_162 : vector<16xi32>
        %sub3A_164 = vector.broadcast %shift_right_arithmetic3A_14 : i32 to vector<16xi32>
        %sub3A_165 = arith.subi %shift_right_arithmetic3A_163, %sub3A_164 : vector<16xi32>
        %and3A_166 = arith.constant 7 : i32
        %and3A_167 = vector.broadcast %and3A_166 : i32 to vector<16xi32>
        %and3A_168 = arith.andi %sub3A_165, %and3A_167 : vector<16xi32>
        %and3A_169 = arith.constant 127 : i32
        %and3A_170 = vector.broadcast %and3A_169 : i32 to vector<16xi32>
        %and3A_171 = arith.andi %add3A_160, %and3A_170 : vector<16xi32>
        %add3A_172 = arith.constant 0 : i32
        %add3A_173 = vector.broadcast %add3A_172 : i32 to vector<16xi32>
        %add3A_174 = arith.addi %add3A_173, %iota3A : vector<16xi32>
        %gather3A_175 = tpu.vector_load_idx %arg11[%and3A_126, %add3A_174, %and3A_129] : memref<8x64x128xf32, #tpu.memory_space<vmem>>[vector<16xi32>, vector<16xi32>, vector<16xi32>], vector<16xf32>,
        %mul3A_176 = arith.mulf %gather3A_175, %gather3A_103 : vector<16xf32>
        %gather3A_177 = tpu.vector_load_idx %arg11[%and3A_140, %add3A_174, %and3A_143] : memref<8x64x128xf32, #tpu.memory_space<vmem>>[vector<16xi32>, vector<16xi32>, vector<16xi32>], vector<16xf32>,
        %mul3A_178 = arith.mulf %gather3A_177, %gather3A_107 : vector<16xf32>
        %add3A_179 = arith.addf %mul3A_176, %mul3A_178 : vector<16xf32>
        %gather3A_180 = tpu.vector_load_idx %arg11[%and3A_154, %add3A_174, %and3A_157] : memref<8x64x128xf32, #tpu.memory_space<vmem>>[vector<16xi32>, vector<16xi32>, vector<16xi32>], vector<16xf32>,
        %mul3A_181 = arith.mulf %gather3A_180, %gather3A_111 : vector<16xf32>
        %add3A_182 = arith.addf %add3A_179, %mul3A_181 : vector<16xf32>
        %gather3A_183 = tpu.vector_load_idx %arg11[%and3A_168, %add3A_174, %and3A_171] : memref<8x64x128xf32, #tpu.memory_space<vmem>>[vector<16xi32>, vector<16xi32>, vector<16xi32>], vector<16xf32>,
        %mul3A_184 = arith.mulf %gather3A_183, %gather3A_115 : vector<16xf32>
        %add3A_185 = arith.addf %add3A_182, %mul3A_184 : vector<16xf32>
        %swap3A_186 = arith.index_cast %while3A_96 : i32 to index
        %swap3A_187 = arith.constant 0 : index
        %swap3A_188 = tpu.vector_load %arg12[%swap3A_186, %swap3A_187] {strides = array<i32>} : memref<128x128xf32, #tpu.memory_space<vmem>>, vector<16xf32>,
        tpu.vector_store %arg12[%swap3A_186, %swap3A_187], %add3A_185 {strides = array<i32>} : memref<128x128xf32, #tpu.memory_space<vmem>>, vector<16xf32>,
        %add3A_189 = arith.constant 16 : i32
        %add3A_190 = vector.broadcast %add3A_189 : i32 to vector<16xi32>
        %add3A_191 = arith.addi %add3A_190, %iota3A : vector<16xi32>
        %gather3A_192 = tpu.vector_load_idx %arg11[%and3A_126, %add3A_191, %and3A_129] : memref<8x64x128xf32, #tpu.memory_space<vmem>>[vector<16xi32>, vector<16xi32>, vector<16xi32>], vector<16xf32>,
        %mul3A_193 = arith.mulf %gather3A_192, %gather3A_103 : vector<16xf32>
        %gather3A_194 = tpu.vector_load_idx %arg11[%and3A_140, %add3A_191, %and3A_143] : memref<8x64x128xf32, #tpu.memory_space<vmem>>[vector<16xi32>, vector<16xi32>, vector<16xi32>], vector<16xf32>,
        %mul3A_195 = arith.mulf %gather3A_194, %gather3A_107 : vector<16xf32>
        %add3A_196 = arith.addf %mul3A_193, %mul3A_195 : vector<16xf32>
        %gather3A_197 = tpu.vector_load_idx %arg11[%and3A_154, %add3A_191, %and3A_157] : memref<8x64x128xf32, #tpu.memory_space<vmem>>[vector<16xi32>, vector<16xi32>, vector<16xi32>], vector<16xf32>,
        %mul3A_198 = arith.mulf %gather3A_197, %gather3A_111 : vector<16xf32>
        %add3A_199 = arith.addf %add3A_196, %mul3A_198 : vector<16xf32>
        %gather3A_200 = tpu.vector_load_idx %arg11[%and3A_168, %add3A_191, %and3A_171] : memref<8x64x128xf32, #tpu.memory_space<vmem>>[vector<16xi32>, vector<16xi32>, vector<16xi32>], vector<16xf32>,
        %mul3A_201 = arith.mulf %gather3A_200, %gather3A_115 : vector<16xf32>
        %add3A_202 = arith.addf %add3A_199, %mul3A_201 : vector<16xf32>
        %swap3A_203 = arith.index_cast %while3A_96 : i32 to index
        %swap3A_204 = arith.constant 16 : index
        %swap3A_205 = tpu.vector_load %arg12[%swap3A_203, %swap3A_204] {strides = array<i32>} : memref<128x128xf32, #tpu.memory_space<vmem>>, vector<16xf32>,
        tpu.vector_store %arg12[%swap3A_203, %swap3A_204], %add3A_202 {strides = array<i32>} : memref<128x128xf32, #tpu.memory_space<vmem>>, vector<16xf32>,
        %add3A_206 = arith.constant 32 : i32
        %add3A_207 = vector.broadcast %add3A_206 : i32 to vector<16xi32>
        %add3A_208 = arith.addi %add3A_207, %iota3A : vector<16xi32>
        %gather3A_209 = tpu.vector_load_idx %arg11[%and3A_126, %add3A_208, %and3A_129] : memref<8x64x128xf32, #tpu.memory_space<vmem>>[vector<16xi32>, vector<16xi32>, vector<16xi32>], vector<16xf32>,
        %mul3A_210 = arith.mulf %gather3A_209, %gather3A_103 : vector<16xf32>
        %gather3A_211 = tpu.vector_load_idx %arg11[%and3A_140, %add3A_208, %and3A_143] : memref<8x64x128xf32, #tpu.memory_space<vmem>>[vector<16xi32>, vector<16xi32>, vector<16xi32>], vector<16xf32>,
        %mul3A_212 = arith.mulf %gather3A_211, %gather3A_107 : vector<16xf32>
        %add3A_213 = arith.addf %mul3A_210, %mul3A_212 : vector<16xf32>
        %gather3A_214 = tpu.vector_load_idx %arg11[%and3A_154, %add3A_208, %and3A_157] : memref<8x64x128xf32, #tpu.memory_space<vmem>>[vector<16xi32>, vector<16xi32>, vector<16xi32>], vector<16xf32>,
        %mul3A_215 = arith.mulf %gather3A_214, %gather3A_111 : vector<16xf32>
        %add3A_216 = arith.addf %add3A_213, %mul3A_215 : vector<16xf32>
        %gather3A_217 = tpu.vector_load_idx %arg11[%and3A_168, %add3A_208, %and3A_171] : memref<8x64x128xf32, #tpu.memory_space<vmem>>[vector<16xi32>, vector<16xi32>, vector<16xi32>], vector<16xf32>,
        %mul3A_218 = arith.mulf %gather3A_217, %gather3A_115 : vector<16xf32>
        %add3A_219 = arith.addf %add3A_216, %mul3A_218 : vector<16xf32>
        %swap3A_220 = arith.index_cast %while3A_96 : i32 to index
        %swap3A_221 = arith.constant 32 : index
        %swap3A_222 = tpu.vector_load %arg12[%swap3A_220, %swap3A_221] {strides = array<i32>} : memref<128x128xf32, #tpu.memory_space<vmem>>, vector<16xf32>,
        tpu.vector_store %arg12[%swap3A_220, %swap3A_221], %add3A_219 {strides = array<i32>} : memref<128x128xf32, #tpu.memory_space<vmem>>, vector<16xf32>,
        %add3A_223 = arith.constant 48 : i32
        %add3A_224 = vector.broadcast %add3A_223 : i32 to vector<16xi32>
        %add3A_225 = arith.addi %add3A_224, %iota3A : vector<16xi32>
        %gather3A_226 = tpu.vector_load_idx %arg11[%and3A_126, %add3A_225, %and3A_129] : memref<8x64x128xf32, #tpu.memory_space<vmem>>[vector<16xi32>, vector<16xi32>, vector<16xi32>], vector<16xf32>,
        %mul3A_227 = arith.mulf %gather3A_226, %gather3A_103 : vector<16xf32>
        %gather3A_228 = tpu.vector_load_idx %arg11[%and3A_140, %add3A_225, %and3A_143] : memref<8x64x128xf32, #tpu.memory_space<vmem>>[vector<16xi32>, vector<16xi32>, vector<16xi32>], vector<16xf32>,
        %mul3A_229 = arith.mulf %gather3A_228, %gather3A_107 : vector<16xf32>
        %add3A_230 = arith.addf %mul3A_227, %mul3A_229 : vector<16xf32>
        %gather3A_231 = tpu.vector_load_idx %arg11[%and3A_154, %add3A_225, %and3A_157] : memref<8x64x128xf32, #tpu.memory_space<vmem>>[vector<16xi32>, vector<16xi32>, vector<16xi32>], vector<16xf32>,
        %mul3A_232 = arith.mulf %gather3A_231, %gather3A_111 : vector<16xf32>
        %add3A_233 = arith.addf %add3A_230, %mul3A_232 : vector<16xf32>
        %gather3A_234 = tpu.vector_load_idx %arg11[%and3A_168, %add3A_225, %and3A_171] : memref<8x64x128xf32, #tpu.memory_space<vmem>>[vector<16xi32>, vector<16xi32>, vector<16xi32>], vector<16xf32>,
        %mul3A_235 = arith.mulf %gather3A_234, %gather3A_115 : vector<16xf32>
        %add3A_236 = arith.addf %add3A_233, %mul3A_235 : vector<16xf32>
        %swap3A_237 = arith.index_cast %while3A_96 : i32 to index
        %swap3A_238 = arith.constant 48 : index
        %swap3A_239 = tpu.vector_load %arg12[%swap3A_237, %swap3A_238] {strides = array<i32>} : memref<128x128xf32, #tpu.memory_space<vmem>>, vector<16xf32>,
        tpu.vector_store %arg12[%swap3A_237, %swap3A_238], %add3A_236 {strides = array<i32>} : memref<128x128xf32, #tpu.memory_space<vmem>>, vector<16xf32>,
        %add3A_240 = arith.constant 1 : i32
        %add3A_241 = arith.addi %while3A_96, %add3A_240 : i32
        %broadcast_in_dim3A_242 = vector.broadcast %add3A_241 : i32 to vector<16xi32>
        %gather3A_243 = tpu.vector_load_idx %arg9[%broadcast_in_dim3A_242] : memref<144xi32, #tpu.memory_space<vmem>>[vector<16xi32>], vector<16xi32>,
        %slice3A_244 = vector.extract_strided_slice %gather3A_243 {offsets = [0], sizes = [1], strides = [1]} : vector<16xi32> to vector<1xi32>
        %squeeze3A_245 = vector.extract %slice3A_244[0] : i32 from vector<1xi32>
        scf.yield %add3A_241, %squeeze3A_245 : i32, i32
      }
      scf.yield %while3A_95#0, %while3A_95#1 : i32, i32
    }
    %while3A_63 = arith.constant 1 : i32
    %while3A_64:2 = scf.for %while3A_69 = %while3A_60 to %while3A_56 step %while3A_63 iter_args(%while3A_70 = %while3A_62#0, %while3A_71 = %while3A_62#1) -> (i32, i32)  : i32 {
      %add3A_72 = arith.constant 6 : i32
      %add3A_73 = arith.addi %while3A_69, %add3A_72 : i32
      %lt3A_74 = arith.cmpi slt, %add3A_73, %add3A_22 : i32
      %convert_element_type3A_75 = arith.extui %lt3A_74 : i1 to i32
      %cond3A_76 = arith.constant 0 : i32
      %cond3A_77 = arith.cmpi ne, %convert_element_type3A_75, %cond3A_76 : i32
      scf.if %cond3A_77 {
        %add3A_96 = arith.constant 6 : i32
        %add3A_97 = arith.addi %while3A_69, %add3A_96 : i32
        %add3A_98 = arith.addi %shift_right_arithmetic3A_14, %add3A_97 : i32
        %mul3A_99 = arith.constant 128 : i32
        %mul3A_100 = arith.muli %add3A_98, %mul3A_99 : i32
        %multiple_of3A = tpu.assume_multiple %mul3A_100, 128 : i32
        %and3A_101 = arith.constant 7 : i32
        %and3A_102 = arith.andi %add3A_97, %and3A_101 : i32
        %and3A_103 = arith.constant 7 : i32
        %and3A_104 = arith.andi %add3A_97, %and3A_103 : i32
        %dma_start3A_105 = arith.constant 0 : i32
        %dma_start3A_106 = arith.constant 0 : i32
        %dma_start3A_107 = tpu.memref_slice %arg11[%and3A_102, %dma_start3A_105, %dma_start3A_106] : memref<8x64x128xf32, #tpu.memory_space<vmem>> -> memref<1x64x128xf32, #tpu.memory_space<vmem>>
        %dma_start3A_108 = tpu.memref_squeeze %dma_start3A_107 : memref<1x64x128xf32, #tpu.memory_space<vmem>> -> memref<64x128xf32, #tpu.memory_space<vmem>>
        %dma_start3A_109 = arith.constant 0 : i32
        %dma_start3A_110 = tpu.memref_slice %arg4[%dma_start3A_109, %multiple_of3A] : memref<64x300001xf32, #tpu.memory_space<hbm>> -> memref<64x128xf32, #tpu.memory_space<hbm>>
        %dma_start3A_111 = tpu.memref_slice %arg13[%and3A_104] : memref<8x!tpu.dma_semaphore, #tpu.memory_space<semaphore_mem>> -> memref<1x!tpu.dma_semaphore, #tpu.memory_space<semaphore_mem>>
        %dma_start3A_112 = tpu.memref_squeeze %dma_start3A_111 : memref<1x!tpu.dma_semaphore, #tpu.memory_space<semaphore_mem>> -> memref<!tpu.dma_semaphore, #tpu.memory_space<semaphore_mem>>
        %dma_start3A_113 = arith.constant 0 : i32
        %dma_start3A_114 = arith.constant 0 : i32
        %dma_start3A_115 = tpu.memref_slice %arg11[%and3A_102, %dma_start3A_113, %dma_start3A_114] : memref<8x64x128xf32, #tpu.memory_space<vmem>> -> memref<1x64x128xf32, #tpu.memory_space<vmem>>
        %dma_start3A_116 = tpu.memref_squeeze %dma_start3A_115 : memref<1x64x128xf32, #tpu.memory_space<vmem>> -> memref<64x128xf32, #tpu.memory_space<vmem>>
        %dma_start3A_117 = arith.constant 0 : i32
        %dma_start3A_118 = tpu.memref_slice %arg4[%dma_start3A_117, %multiple_of3A] : memref<64x300001xf32, #tpu.memory_space<hbm>> -> memref<64x128xf32, #tpu.memory_space<hbm>>
        tpu.enqueue_dma source(%dma_start3A_118 : memref<64x128xf32, #tpu.memory_space<hbm>>) target(%dma_start3A_116 : memref<64x128xf32, #tpu.memory_space<vmem>>) target_semaphore(%dma_start3A_112 : memref<!tpu.dma_semaphore, #tpu.memory_space<semaphore_mem>>)
      } else {
      }
      %and3A = arith.constant 7 : i32
      %and3A_78 = arith.andi %while3A_69, %and3A : i32
      %dma_wait3A_79 = arith.constant 0 : i32
      %dma_wait3A_80 = arith.constant 0 : i32
      %dma_wait3A_81 = tpu.memref_slice %arg11[%and3A_78, %dma_wait3A_79, %dma_wait3A_80] : memref<8x64x128xf32, #tpu.memory_space<vmem>> -> memref<1x64x128xf32, #tpu.memory_space<vmem>>
      %dma_wait3A_82 = tpu.memref_squeeze %dma_wait3A_81 : memref<1x64x128xf32, #tpu.memory_space<vmem>> -> memref<64x128xf32, #tpu.memory_space<vmem>>
      %dma_wait3A_83 = arith.constant 0 : i32
      %dma_wait3A_84 = arith.constant 0 : i32
      %dma_wait3A_85 = tpu.memref_slice %arg4[%dma_wait3A_83, %dma_wait3A_84] : memref<64x300001xf32, #tpu.memory_space<hbm>> -> memref<64x128xf32, #tpu.memory_space<hbm>>
      %dma_wait3A_86 = tpu.memref_slice %arg13[%and3A_78] : memref<8x!tpu.dma_semaphore, #tpu.memory_space<semaphore_mem>> -> memref<1x!tpu.dma_semaphore, #tpu.memory_space<semaphore_mem>>
      %dma_wait3A_87 = tpu.memref_squeeze %dma_wait3A_86 : memref<1x!tpu.dma_semaphore, #tpu.memory_space<semaphore_mem>> -> memref<!tpu.dma_semaphore, #tpu.memory_space<semaphore_mem>>
      %dma_wait3A_88 = arith.constant 0 : i32
      %dma_wait3A_89 = arith.constant 0 : i32
      %dma_wait3A_90 = tpu.memref_slice %arg11[%and3A_78, %dma_wait3A_88, %dma_wait3A_89] : memref<8x64x128xf32, #tpu.memory_space<vmem>> -> memref<1x64x128xf32, #tpu.memory_space<vmem>>
      %dma_wait3A_91 = tpu.memref_squeeze %dma_wait3A_90 : memref<1x64x128xf32, #tpu.memory_space<vmem>> -> memref<64x128xf32, #tpu.memory_space<vmem>>
      %dma_wait3A_92 = arith.constant 0 : i32
      %dma_wait3A_93 = arith.constant 0 : i32
      %dma_wait3A_94 = tpu.memref_slice %arg4[%dma_wait3A_92, %dma_wait3A_93] : memref<64x300001xf32, #tpu.memory_space<hbm>> -> memref<64x128xf32, #tpu.memory_space<hbm>>
      tpu.wait_dma2 semaphore(%dma_wait3A_87 : memref<!tpu.dma_semaphore, #tpu.memory_space<semaphore_mem>>) src(%dma_wait3A_94 : memref<64x128xf32, #tpu.memory_space<hbm>>) dst(%dma_wait3A_91 : memref<64x128xf32, #tpu.memory_space<vmem>>)
      %while3A_95:2 = scf.while (%while3A_96 = %while3A_70, %while3A_97 = %while3A_71) : (i32, i32) -> (i32, i32) {
        %add3A_98 = arith.addi %shift_right_arithmetic3A_14, %while3A_69 : i32
        %eq3A = arith.cmpi eq, %while3A_97, %add3A_98 : i32
        scf.condition(%eq3A) %while3A_96, %while3A_97 : i32, i32
      } do {
      ^bb0(%while3A_96: i32, %while3A_97: i32):
        %broadcast_in_dim3A_98 = vector.broadcast %while3A_96 : i32 to vector<16xi32>
        %gather3A_99 = tpu.vector_load_idx %arg8[%broadcast_in_dim3A_98] : memref<144xi32, #tpu.memory_space<vmem>>[vector<16xi32>], vector<16xi32>,
        %add3A_100 = arith.constant 0 : i32
        %add3A_101 = vector.broadcast %add3A_100 : i32 to vector<16xi32>
        %add3A_102 = arith.addi %broadcast_in_dim3A_98, %add3A_101 : vector<16xi32>
        %gather3A_103 = tpu.vector_load_idx %arg10[%add3A_102] : memref<512xf32, #tpu.memory_space<vmem>>[vector<16xi32>], vector<16xf32>,
        %add3A_104 = arith.constant 128 : i32
        %add3A_105 = vector.broadcast %add3A_104 : i32 to vector<16xi32>
        %add3A_106 = arith.addi %broadcast_in_dim3A_98, %add3A_105 : vector<16xi32>
        %gather3A_107 = tpu.vector_load_idx %arg10[%add3A_106] : memref<512xf32, #tpu.memory_space<vmem>>[vector<16xi32>], vector<16xf32>,
        %add3A_108 = arith.constant 256 : i32
        %add3A_109 = vector.broadcast %add3A_108 : i32 to vector<16xi32>
        %add3A_110 = arith.addi %broadcast_in_dim3A_98, %add3A_109 : vector<16xi32>
        %gather3A_111 = tpu.vector_load_idx %arg10[%add3A_110] : memref<512xf32, #tpu.memory_space<vmem>>[vector<16xi32>], vector<16xf32>,
        %add3A_112 = arith.constant 384 : i32
        %add3A_113 = vector.broadcast %add3A_112 : i32 to vector<16xi32>
        %add3A_114 = arith.addi %broadcast_in_dim3A_98, %add3A_113 : vector<16xi32>
        %gather3A_115 = tpu.vector_load_idx %arg10[%add3A_114] : memref<512xf32, #tpu.memory_space<vmem>>[vector<16xi32>], vector<16xf32>,
        %add3A_116 = arith.constant 0 : i32
        %add3A_117 = vector.broadcast %add3A_116 : i32 to vector<16xi32>
        %add3A_118 = arith.addi %gather3A_99, %add3A_117 : vector<16xi32>
        %shift_right_arithmetic3A_119 = arith.constant 7 : i32
        %shift_right_arithmetic3A_120 = vector.broadcast %shift_right_arithmetic3A_119 : i32 to vector<16xi32>
        %shift_right_arithmetic3A_121 = arith.shrsi %add3A_118, %shift_right_arithmetic3A_120 : vector<16xi32>
        %sub3A_122 = vector.broadcast %shift_right_arithmetic3A_14 : i32 to vector<16xi32>
        %sub3A_123 = arith.subi %shift_right_arithmetic3A_121, %sub3A_122 : vector<16xi32>
        %and3A_124 = arith.constant 7 : i32
        %and3A_125 = vector.broadcast %and3A_124 : i32 to vector<16xi32>
        %and3A_126 = arith.andi %sub3A_123, %and3A_125 : vector<16xi32>
        %and3A_127 = arith.constant 127 : i32
        %and3A_128 = vector.broadcast %and3A_127 : i32 to vector<16xi32>
        %and3A_129 = arith.andi %add3A_118, %and3A_128 : vector<16xi32>
        %add3A_130 = arith.constant 1 : i32
        %add3A_131 = vector.broadcast %add3A_130 : i32 to vector<16xi32>
        %add3A_132 = arith.addi %gather3A_99, %add3A_131 : vector<16xi32>
        %shift_right_arithmetic3A_133 = arith.constant 7 : i32
        %shift_right_arithmetic3A_134 = vector.broadcast %shift_right_arithmetic3A_133 : i32 to vector<16xi32>
        %shift_right_arithmetic3A_135 = arith.shrsi %add3A_132, %shift_right_arithmetic3A_134 : vector<16xi32>
        %sub3A_136 = vector.broadcast %shift_right_arithmetic3A_14 : i32 to vector<16xi32>
        %sub3A_137 = arith.subi %shift_right_arithmetic3A_135, %sub3A_136 : vector<16xi32>
        %and3A_138 = arith.constant 7 : i32
        %and3A_139 = vector.broadcast %and3A_138 : i32 to vector<16xi32>
        %and3A_140 = arith.andi %sub3A_137, %and3A_139 : vector<16xi32>
        %and3A_141 = arith.constant 127 : i32
        %and3A_142 = vector.broadcast %and3A_141 : i32 to vector<16xi32>
        %and3A_143 = arith.andi %add3A_132, %and3A_142 : vector<16xi32>
        %add3A_144 = arith.constant 2 : i32
        %add3A_145 = vector.broadcast %add3A_144 : i32 to vector<16xi32>
        %add3A_146 = arith.addi %gather3A_99, %add3A_145 : vector<16xi32>
        %shift_right_arithmetic3A_147 = arith.constant 7 : i32
        %shift_right_arithmetic3A_148 = vector.broadcast %shift_right_arithmetic3A_147 : i32 to vector<16xi32>
        %shift_right_arithmetic3A_149 = arith.shrsi %add3A_146, %shift_right_arithmetic3A_148 : vector<16xi32>
        %sub3A_150 = vector.broadcast %shift_right_arithmetic3A_14 : i32 to vector<16xi32>
        %sub3A_151 = arith.subi %shift_right_arithmetic3A_149, %sub3A_150 : vector<16xi32>
        %and3A_152 = arith.constant 7 : i32
        %and3A_153 = vector.broadcast %and3A_152 : i32 to vector<16xi32>
        %and3A_154 = arith.andi %sub3A_151, %and3A_153 : vector<16xi32>
        %and3A_155 = arith.constant 127 : i32
        %and3A_156 = vector.broadcast %and3A_155 : i32 to vector<16xi32>
        %and3A_157 = arith.andi %add3A_146, %and3A_156 : vector<16xi32>
        %add3A_158 = arith.constant 3 : i32
        %add3A_159 = vector.broadcast %add3A_158 : i32 to vector<16xi32>
        %add3A_160 = arith.addi %gather3A_99, %add3A_159 : vector<16xi32>
        %shift_right_arithmetic3A_161 = arith.constant 7 : i32
        %shift_right_arithmetic3A_162 = vector.broadcast %shift_right_arithmetic3A_161 : i32 to vector<16xi32>
        %shift_right_arithmetic3A_163 = arith.shrsi %add3A_160, %shift_right_arithmetic3A_162 : vector<16xi32>
        %sub3A_164 = vector.broadcast %shift_right_arithmetic3A_14 : i32 to vector<16xi32>
        %sub3A_165 = arith.subi %shift_right_arithmetic3A_163, %sub3A_164 : vector<16xi32>
        %and3A_166 = arith.constant 7 : i32
        %and3A_167 = vector.broadcast %and3A_166 : i32 to vector<16xi32>
        %and3A_168 = arith.andi %sub3A_165, %and3A_167 : vector<16xi32>
        %and3A_169 = arith.constant 127 : i32
        %and3A_170 = vector.broadcast %and3A_169 : i32 to vector<16xi32>
        %and3A_171 = arith.andi %add3A_160, %and3A_170 : vector<16xi32>
        %add3A_172 = arith.constant 0 : i32
        %add3A_173 = vector.broadcast %add3A_172 : i32 to vector<16xi32>
        %add3A_174 = arith.addi %add3A_173, %iota3A : vector<16xi32>
        %gather3A_175 = tpu.vector_load_idx %arg11[%and3A_126, %add3A_174, %and3A_129] : memref<8x64x128xf32, #tpu.memory_space<vmem>>[vector<16xi32>, vector<16xi32>, vector<16xi32>], vector<16xf32>,
        %mul3A_176 = arith.mulf %gather3A_175, %gather3A_103 : vector<16xf32>
        %gather3A_177 = tpu.vector_load_idx %arg11[%and3A_140, %add3A_174, %and3A_143] : memref<8x64x128xf32, #tpu.memory_space<vmem>>[vector<16xi32>, vector<16xi32>, vector<16xi32>], vector<16xf32>,
        %mul3A_178 = arith.mulf %gather3A_177, %gather3A_107 : vector<16xf32>
        %add3A_179 = arith.addf %mul3A_176, %mul3A_178 : vector<16xf32>
        %gather3A_180 = tpu.vector_load_idx %arg11[%and3A_154, %add3A_174, %and3A_157] : memref<8x64x128xf32, #tpu.memory_space<vmem>>[vector<16xi32>, vector<16xi32>, vector<16xi32>], vector<16xf32>,
        %mul3A_181 = arith.mulf %gather3A_180, %gather3A_111 : vector<16xf32>
        %add3A_182 = arith.addf %add3A_179, %mul3A_181 : vector<16xf32>
        %gather3A_183 = tpu.vector_load_idx %arg11[%and3A_168, %add3A_174, %and3A_171] : memref<8x64x128xf32, #tpu.memory_space<vmem>>[vector<16xi32>, vector<16xi32>, vector<16xi32>], vector<16xf32>,
        %mul3A_184 = arith.mulf %gather3A_183, %gather3A_115 : vector<16xf32>
        %add3A_185 = arith.addf %add3A_182, %mul3A_184 : vector<16xf32>
        %swap3A_186 = arith.index_cast %while3A_96 : i32 to index
        %swap3A_187 = arith.constant 0 : index
        %swap3A_188 = tpu.vector_load %arg12[%swap3A_186, %swap3A_187] {strides = array<i32>} : memref<128x128xf32, #tpu.memory_space<vmem>>, vector<16xf32>,
        tpu.vector_store %arg12[%swap3A_186, %swap3A_187], %add3A_185 {strides = array<i32>} : memref<128x128xf32, #tpu.memory_space<vmem>>, vector<16xf32>,
        %add3A_189 = arith.constant 16 : i32
        %add3A_190 = vector.broadcast %add3A_189 : i32 to vector<16xi32>
        %add3A_191 = arith.addi %add3A_190, %iota3A : vector<16xi32>
        %gather3A_192 = tpu.vector_load_idx %arg11[%and3A_126, %add3A_191, %and3A_129] : memref<8x64x128xf32, #tpu.memory_space<vmem>>[vector<16xi32>, vector<16xi32>, vector<16xi32>], vector<16xf32>,
        %mul3A_193 = arith.mulf %gather3A_192, %gather3A_103 : vector<16xf32>
        %gather3A_194 = tpu.vector_load_idx %arg11[%and3A_140, %add3A_191, %and3A_143] : memref<8x64x128xf32, #tpu.memory_space<vmem>>[vector<16xi32>, vector<16xi32>, vector<16xi32>], vector<16xf32>,
        %mul3A_195 = arith.mulf %gather3A_194, %gather3A_107 : vector<16xf32>
        %add3A_196 = arith.addf %mul3A_193, %mul3A_195 : vector<16xf32>
        %gather3A_197 = tpu.vector_load_idx %arg11[%and3A_154, %add3A_191, %and3A_157] : memref<8x64x128xf32, #tpu.memory_space<vmem>>[vector<16xi32>, vector<16xi32>, vector<16xi32>], vector<16xf32>,
        %mul3A_198 = arith.mulf %gather3A_197, %gather3A_111 : vector<16xf32>
        %add3A_199 = arith.addf %add3A_196, %mul3A_198 : vector<16xf32>
        %gather3A_200 = tpu.vector_load_idx %arg11[%and3A_168, %add3A_191, %and3A_171] : memref<8x64x128xf32, #tpu.memory_space<vmem>>[vector<16xi32>, vector<16xi32>, vector<16xi32>], vector<16xf32>,
        %mul3A_201 = arith.mulf %gather3A_200, %gather3A_115 : vector<16xf32>
        %add3A_202 = arith.addf %add3A_199, %mul3A_201 : vector<16xf32>
        %swap3A_203 = arith.index_cast %while3A_96 : i32 to index
        %swap3A_204 = arith.constant 16 : index
        %swap3A_205 = tpu.vector_load %arg12[%swap3A_203, %swap3A_204] {strides = array<i32>} : memref<128x128xf32, #tpu.memory_space<vmem>>, vector<16xf32>,
        tpu.vector_store %arg12[%swap3A_203, %swap3A_204], %add3A_202 {strides = array<i32>} : memref<128x128xf32, #tpu.memory_space<vmem>>, vector<16xf32>,
        %add3A_206 = arith.constant 32 : i32
        %add3A_207 = vector.broadcast %add3A_206 : i32 to vector<16xi32>
        %add3A_208 = arith.addi %add3A_207, %iota3A : vector<16xi32>
        %gather3A_209 = tpu.vector_load_idx %arg11[%and3A_126, %add3A_208, %and3A_129] : memref<8x64x128xf32, #tpu.memory_space<vmem>>[vector<16xi32>, vector<16xi32>, vector<16xi32>], vector<16xf32>,
        %mul3A_210 = arith.mulf %gather3A_209, %gather3A_103 : vector<16xf32>
        %gather3A_211 = tpu.vector_load_idx %arg11[%and3A_140, %add3A_208, %and3A_143] : memref<8x64x128xf32, #tpu.memory_space<vmem>>[vector<16xi32>, vector<16xi32>, vector<16xi32>], vector<16xf32>,
        %mul3A_212 = arith.mulf %gather3A_211, %gather3A_107 : vector<16xf32>
        %add3A_213 = arith.addf %mul3A_210, %mul3A_212 : vector<16xf32>
        %gather3A_214 = tpu.vector_load_idx %arg11[%and3A_154, %add3A_208, %and3A_157] : memref<8x64x128xf32, #tpu.memory_space<vmem>>[vector<16xi32>, vector<16xi32>, vector<16xi32>], vector<16xf32>,
        %mul3A_215 = arith.mulf %gather3A_214, %gather3A_111 : vector<16xf32>
        %add3A_216 = arith.addf %add3A_213, %mul3A_215 : vector<16xf32>
        %gather3A_217 = tpu.vector_load_idx %arg11[%and3A_168, %add3A_208, %and3A_171] : memref<8x64x128xf32, #tpu.memory_space<vmem>>[vector<16xi32>, vector<16xi32>, vector<16xi32>], vector<16xf32>,
        %mul3A_218 = arith.mulf %gather3A_217, %gather3A_115 : vector<16xf32>
        %add3A_219 = arith.addf %add3A_216, %mul3A_218 : vector<16xf32>
        %swap3A_220 = arith.index_cast %while3A_96 : i32 to index
        %swap3A_221 = arith.constant 32 : index
        %swap3A_222 = tpu.vector_load %arg12[%swap3A_220, %swap3A_221] {strides = array<i32>} : memref<128x128xf32, #tpu.memory_space<vmem>>, vector<16xf32>,
        tpu.vector_store %arg12[%swap3A_220, %swap3A_221], %add3A_219 {strides = array<i32>} : memref<128x128xf32, #tpu.memory_space<vmem>>, vector<16xf32>,
        %add3A_223 = arith.constant 48 : i32
        %add3A_224 = vector.broadcast %add3A_223 : i32 to vector<16xi32>
        %add3A_225 = arith.addi %add3A_224, %iota3A : vector<16xi32>
        %gather3A_226 = tpu.vector_load_idx %arg11[%and3A_126, %add3A_225, %and3A_129] : memref<8x64x128xf32, #tpu.memory_space<vmem>>[vector<16xi32>, vector<16xi32>, vector<16xi32>], vector<16xf32>,
        %mul3A_227 = arith.mulf %gather3A_226, %gather3A_103 : vector<16xf32>
        %gather3A_228 = tpu.vector_load_idx %arg11[%and3A_140, %add3A_225, %and3A_143] : memref<8x64x128xf32, #tpu.memory_space<vmem>>[vector<16xi32>, vector<16xi32>, vector<16xi32>], vector<16xf32>,
        %mul3A_229 = arith.mulf %gather3A_228, %gather3A_107 : vector<16xf32>
        %add3A_230 = arith.addf %mul3A_227, %mul3A_229 : vector<16xf32>
        %gather3A_231 = tpu.vector_load_idx %arg11[%and3A_154, %add3A_225, %and3A_157] : memref<8x64x128xf32, #tpu.memory_space<vmem>>[vector<16xi32>, vector<16xi32>, vector<16xi32>], vector<16xf32>,
        %mul3A_232 = arith.mulf %gather3A_231, %gather3A_111 : vector<16xf32>
        %add3A_233 = arith.addf %add3A_230, %mul3A_232 : vector<16xf32>
        %gather3A_234 = tpu.vector_load_idx %arg11[%and3A_168, %add3A_225, %and3A_171] : memref<8x64x128xf32, #tpu.memory_space<vmem>>[vector<16xi32>, vector<16xi32>, vector<16xi32>], vector<16xf32>,
        %mul3A_235 = arith.mulf %gather3A_234, %gather3A_115 : vector<16xf32>
        %add3A_236 = arith.addf %add3A_233, %mul3A_235 : vector<16xf32>
        %swap3A_237 = arith.index_cast %while3A_96 : i32 to index
        %swap3A_238 = arith.constant 48 : index
        %swap3A_239 = tpu.vector_load %arg12[%swap3A_237, %swap3A_238] {strides = array<i32>} : memref<128x128xf32, #tpu.memory_space<vmem>>, vector<16xf32>,
        tpu.vector_store %arg12[%swap3A_237, %swap3A_238], %add3A_236 {strides = array<i32>} : memref<128x128xf32, #tpu.memory_space<vmem>>, vector<16xf32>,
        %add3A_240 = arith.constant 1 : i32
        %add3A_241 = arith.addi %while3A_96, %add3A_240 : i32
        %broadcast_in_dim3A_242 = vector.broadcast %add3A_241 : i32 to vector<16xi32>
        %gather3A_243 = tpu.vector_load_idx %arg9[%broadcast_in_dim3A_242] : memref<144xi32, #tpu.memory_space<vmem>>[vector<16xi32>], vector<16xi32>,
        %slice3A_244 = vector.extract_strided_slice %gather3A_243 {offsets = [0], sizes = [1], strides = [1]} : vector<16xi32> to vector<1xi32>
        %squeeze3A_245 = vector.extract %slice3A_244[0] : i32 from vector<1xi32>
        scf.yield %add3A_241, %squeeze3A_245 : i32, i32
      }
      scf.yield %while3A_95#0, %while3A_95#1 : i32, i32
    }
    %dma_start3A = arith.constant 0 : i32
    %dma_start3A_65 = arith.constant 0 : i32
    %dma_start3A_66 = tpu.memref_slice %arg5[%dma_start3A, %dma_start3A_65] : memref<4096x128xf32, #tpu.memory_space<hbm>> -> memref<4096x128xf32, #tpu.memory_space<hbm>>
    tpu.enqueue_indirect_dma source(%arg12 : memref<128x128xf32, #tpu.memory_space<vmem>>) target(%dma_start3A_66 : memref<4096x128xf32, #tpu.memory_space<hbm>>) offsets(%arg7 : memref<128xi32, #tpu.memory_space<vmem>>) semaphore(%arg14 : memref<!tpu.dma_semaphore, #tpu.memory_space<semaphore_mem>>)
    %dma_wait3A = arith.constant 0 : i32
    %dma_wait3A_67 = arith.constant 0 : i32
    %dma_wait3A_68 = tpu.memref_slice %arg5[%dma_wait3A, %dma_wait3A_67] : memref<4096x128xf32, #tpu.memory_space<hbm>> -> memref<4096x128xf32, #tpu.memory_space<hbm>>
    tpu.wait_indirect_dma semaphore(%arg14 : memref<!tpu.dma_semaphore, #tpu.memory_space<semaphore_mem>>) src(%arg12 : memref<128x128xf32, #tpu.memory_space<vmem>>) dst(%dma_wait3A_68 : memref<4096x128xf32, #tpu.memory_space<hbm>>)
    return
  }
}

</mosaic_0001>

<sc_bundles>
// kernel: kernel.3.cloned.1.call-start
scs
__scs_entry_jumppad:
0x0: {  	(pc) =	sbr.rel $0x88, $3  }
0x1: {  	(tag) =	ssettag $0x0;
	lr =	simm.s32 $0x1  }
0x2: {  	[smem:$0x3F9F] =	sst lr;
	_ =	strace $0xD0000000  }
0x3: {  	_ = 	snop  }
0x4: {  	_ = 	snop  }
0x5: {  	_ = 	snop  }
0x6: {  	_ = 	snop  }
0x7: {  	_ = 	snop  }
__scs_overlays_trampoline_lowered:
0x8: {  	[smem:$0x3FAE] =	sst s0  }
0x9: {  	[smem:$0x3FAF] =	sst s1  }
0xa: {  	[smem:$0x3FB0] =	sst s2  }
0xb: {  	[smem:$0x3FB1] =	sst s3  }
0xc: {  	[smem:$0x3FB2] =	sst s4  }
0xd: {  	[smem:$0x3FB3] =	sst s5  }
0xe: {  	[smem:$0x3FB4] =	sst s6  }
0xf: {  	[smem:$0x3FB5] =	sst s7  }
0x10: {  	[smem:$0x3FB6] =	sst s8  }
0x11: {  	[smem:$0x3FB7] =	sst s9;
	s0 =	simm.s32 @!p0 $0x0  }
0x12: {  	s1 =	sld [smem:$0x3F9D];
	s0 =	simm.s32 @p0 $0x1  }
0x13: {  	[smem:$0x3FB8] =	sst s0;
	s0 =	simm.s32 @!p1 $0x0  }
0x14: {  	s2 =	sld [smem:$0x3F9C];
	s0 =	simm.s32 @p1 $0x1  }
0x15: {  	[smem:$0x3FB9] =	sst s0;
	s0 =	simm.s32 @!p2 $0x0  }
0x16: {  	s3 =	sld [smem:$0x3FDB];
	s0 =	simm.s32 @p2 $0x1  }
0x17: {  	s4 =	simm.s32 $0x1BF5;
	[smem:$0x3FBB] =	sst s0  }
0x18: {  	s0 =	sld [smem:$0x3F9E];
	_ =	swait.ge [sflag:s4], $0x0  }
0x19: {  	s7 =	sld [smem:$0x3F9F]  }
0x1a: {  	s8 =	sadd.s32 $0xFFFFE003, lr  }
0x1b: {  	s9 =	sadd.s32 $0xFFFFFEF7, lr;
	s5 =	simm.s32 $0xFFFFFFFF;
	p2 =	slt.u32 s8, $0xFFFFF086  }
0x1c: {  	p1 =	slt.u32 s9, $0xF7A;
	s5 =	simm.s32 @!p2 $0x0  }
0x1d: {  	s5 =	simm.s32 @p1 $0x1;
	p0 =	seq.s32 s7, s2  }
0x1e: {  	s7 =	smul.u32 @!p0 $0xF7A, s2;
	p2 =	seq.s32 @!p0 s5, $0x0  }
0x1f: {  	s9 =	smul.u32 $0xF7A, s1;
	s8 =	simm.s32 @!p0 $0x1BF5;
	p2 =	por !p2, p0  }
0x20: {  	[sflag:s8] =	ssyncset.s32 @!p0 $0xFFFFF086;
	s6 =	sadd.s32 @!p0 s3, s7;
	s7 =	simm.s32 @!p0 $0x108  }
0x21: {  	s3 =	sadd.s32 s3, s9;
	s6 =	sadd.s32 @!p0 $0x88, s6;
	s7 =	simm.s32 @p2 $0x1082  }
0x22: {  	[simem:s7], [sflag:s8] =	dma.local @!p0 [hbm:s6], $0xF7A  }
0x23: {  	s9 =	sor.u32 $0xD0000000, s2;
	s6 =	simm.s32 $0x108;
	_ =	swait.ge @!p0 [sflag:s8], $0x0  }
0x24: {  	s3 =	sadd.s32 $0x88, s3;
	s6 =	simm.s32 @!p1 $0x1082;
	[sflag:s4] =	ssyncset.s32 $0xFFFFF086  }
0x25: {  	[simem:s6], [sflag:s4] =	dma.local [hbm:s3], $0xF7A  }
0x26: {  	[smem:$0x3F9F] =	sst s1;
	(tag) =	ssettag s2;
	_ =	strace s9  }
0x27: {  	s1 =	sld [smem:$0x3FAF]  }
0x28: {  	s2 =	sld [smem:$0x3FB0]  }
0x29: {  	s4 =	sld [smem:$0x3FB2]  }
0x2a: {  	p0 =	seq.s32 s5, $0x0;
	s5 =	sld [smem:$0x3FB3]  }
0x2b: {  	s6 =	sld [smem:$0x3FB4]  }
0x2c: {  	s7 =	sld [smem:$0x3FB5]  }
0x2d: {  	s3 =	simm.s32 $0x108;
	s8 =	sld [smem:$0x3FB6]  }
0x2e: {  	s3 =	simm.s32 @!p0 $0x1082;
	s9 =	sld [smem:$0x3FB7]  }
0x2f: {  	lr =	sadd.s32 s0, s3;
	s0 =	sld [smem:$0x3FAE]  }
0x30: {  	s3 =	sld [smem:$0x3FB1]  }
0x31: {  	[smem:$0x3FBA] =	sst s10  }
0x32: {  	s10 =	sld [smem:$0x3FB8];
	_ =	sdelay $0x3  }
0x33: {  	p0 =	seq.s32 s10, $0x1;
	s10 =	sld [smem:$0x3FBA];
	_ =	sdelay $0x3  }
0x34: {  	[smem:$0x3FBA] =	sst s10  }
0x35: {  	s10 =	sld [smem:$0x3FB9];
	_ =	sdelay $0x3  }
0x36: {  	p1 =	seq.s32 s10, $0x1;
	s10 =	sld [smem:$0x3FBA];
	_ =	sdelay $0x3  }
0x37: {  	[smem:$0x3FBA] =	sst s10  }
0x38: {  	s10 =	sld [smem:$0x3FBB]  }
0x39: {  	_ = 	snop;
	(pc) =	sbr.ind lr, $3  }
0x3a: {  	_ = 	snop  }
0x3b: {  	_ = 	snop  }
0x3c: {  	p2 =	seq.s32 s10, $0x1;
	s10 =	sld [smem:$0x3FBA]  }
0x3d: {  	_ =	shalt  }
0x3e: {  	_ =	shalt  }
0x3f: {  	_ =	shalt  }
0x40: {  	_ =	shalt  }
0x41: {  	_ =	shalt  }
0x42: {  	_ =	shalt  }
0x43: {  	_ =	shalt  }
0x44: {  	_ =	shalt  }
0x45: {  	_ =	shalt  }
0x46: {  	_ =	shalt  }
0x47: {  	_ =	shalt  }
0x48: {  	_ =	shalt  }
0x49: {  	_ =	shalt  }
0x4a: {  	_ =	shalt  }
0x4b: {  	_ =	shalt  }
0x4c: {  	_ =	shalt  }
0x4d: {  	_ =	shalt  }
0x4e: {  	_ =	shalt  }
0x4f: {  	_ =	shalt  }
0x50: {  	_ =	shalt  }
0x51: {  	_ =	shalt  }
0x52: {  	_ =	shalt  }
0x53: {  	_ =	shalt  }
0x54: {  	_ =	shalt  }
0x55: {  	_ =	shalt  }
0x56: {  	_ =	shalt  }
0x57: {  	_ =	shalt  }
0x58: {  	_ =	shalt  }
0x59: {  	_ =	shalt  }
0x5a: {  	_ =	shalt  }
0x5b: {  	_ =	shalt  }
0x5c: {  	_ =	shalt  }
0x5d: {  	_ =	shalt  }
0x5e: {  	_ =	shalt  }
0x5f: {  	_ =	shalt  }
0x60: {  	_ =	shalt  }
0x61: {  	_ =	shalt  }
0x62: {  	_ =	shalt  }
0x63: {  	_ =	shalt  }
0x64: {  	_ =	shalt  }
0x65: {  	_ =	shalt  }
0x66: {  	_ =	shalt  }
0x67: {  	_ =	shalt  }
0x68: {  	_ =	shalt  }
0x69: {  	_ =	shalt  }
0x6a: {  	_ =	shalt  }
0x6b: {  	_ =	shalt  }
0x6c: {  	_ =	shalt  }
0x6d: {  	_ =	shalt  }
0x6e: {  	_ =	shalt  }
0x6f: {  	_ =	shalt  }
0x70: {  	_ =	shalt  }
0x71: {  	_ =	shalt  }
0x72: {  	_ =	shalt  }
0x73: {  	_ =	shalt  }
0x74: {  	_ =	shalt  }
0x75: {  	_ =	shalt  }
0x76: {  	_ =	shalt  }
0x77: {  	_ =	shalt  }
0x78: {  	_ =	shalt  }
0x79: {  	_ =	shalt  }
0x7a: {  	_ =	shalt  }
0x7b: {  	_ =	shalt  }
0x7c: {  	_ =	shalt  }
0x7d: {  	_ =	shalt  }
0x7e: {  	_ =	shalt  }
0x7f: {  	_ =	shalt  }
0x80: {  	_ =	shalt  }
0x81: {  	_ =	shalt  }
0x82: {  	_ =	shalt  }
0x83: {  	_ =	shalt  }
0x84: {  	_ =	shalt  }
0x85: {  	_ =	shalt  }
0x86: {  	_ =	shalt  }
0x87: {  	_ =	shalt  }
.Lfunc_end0:
.L_simem_size_0:
called_computation_lowered:
.L_overlay_start_0:
0x88: {  	s2 =	sld [smem:$0x3FD9]  }
0x89: {  	s3 =	sld [smem:$0x3FFE];
	_ =	sdelay $0x1  }
0x8a: {  	s1 =	srdreg.scid  }
0x8b: {  	s0 =	sand.u32 $0x1, s1  }
0x8c: {  	s17 =	sshll.u32 s0, $0xA;
	s2 =	sadd.s32 s3, s2  }
0x8d: {  	s2 =	sadd.s32 s2, s17  }
0x8e: {  	[smem:$0x3FC6] =	sst s2  }
0x8f: {  	_ = 	snop  }
0x90: {  	s2 =	sld [smem:$0x3FC8]  }
0x91: {  	s18 =	sld [smem:$0x3FD0];
	(tm) =	ssettm $0x1  }
0x92: {  	s4 =	sld [smem:$0x3FFB];
	_ =	sdelay $0x3  }
0x93: {  	_ =	strace s4  }
0x94: {  	s4 =	sld [smem:$0x3FFC];
	_ =	sdelay $0x3  }
0x95: {  	_ =	strace s4  }
0x96: {  	s4 =	sld [smem:$0x3FFD];
	_ =	sdelay $0x3  }
0x97: {  	_ =	strace s4  }
0x98: {  	_ =	strace $0x8FFFFFFF  }
0x99: {  	s19 =	sld [smem:$0x3FDB];
	_ =	sdelay $0x1  }
0x9a: {  	s5 =	simm.s32 $_scs_section_size  }
0x9b: {  	s6 =	simm.s32 $_size__tile_overlayer_lowered;
	s7 =	simm.s32 $_tile_overlayer_lowered  }
0x9c: {  	s22 =	simm.s32 $0x1BFF;
	s21 =	sshll.u32 s7, $0x1;
	s4 =	sadd.s32 s5, s19  }
0x9d: {  	s8 =	simm.s32 $0x0;
	s20 =	sshll.u32 s6, $0x1;
	s6 =	sadd.s32 s21, s4  }
0x9e: {  	[timem:s8], [sflag:s22] =	dma.local [hbm:s6], s20  }
0x9f: {  	_ =	swait.ge [sflag:s22], s20  }
0xa0: {  	s5 =	ssub.s32 $0x0, s20;
	[sflag:s22] =	ssyncset.done $0x0  }
0xa1: {  	[sflag:s22] =	ssyncadd.s32 s5;
	_ =	sdelay $0x1  }
0xa2: {  	s23 =	simm.s32 $0x1B8B  }
0xa3: {  	_ =	swait.ge [sflag:s23], $0x1  }
0xa4: {  	[sflag:s23] =	ssyncset.done $0x0  }
0xa5: {  	s25 =	simm.s32 $0x1B8E;
	s24 =	sld [smem:$0x3FFE];
	[sflag:s23] =	ssyncadd.s32 $0xFFFFFFFF  }
0xa6: {  	s26 =	simm.s32 $execute0_lowered;
	[smem:$0x3FD2] =	sst s25  }
0xa7: {  	s6 =	sshll.u32 s26, $0x1;
	_ =	strace $0x80000046;
	[dreg:$0x1] =	wrdreg $0xFFFFFFFF  }
0xa8: {  	s28 =	simm.s32 $_size_execute0_lowered;
	s4 =	sadd.s32 s4, s6;
	[dreg:$0x0] =	wrdreg $0x0  }
0xa9: {  	s6 =	sshll.u32 s28, $0x1;
	[dreg:$0x2] =	wrdreg s4  }
0xaa: {  	[dreg:$0x3] =	wrdreg s6  }
0xab: {  	[dreg:$0x4] =	wrdreg $0xC0  }
0xac: {  	_ =	task [dreg:s8], $0x5FFFF  }
0xad: {  	[dreg:$0x1] =	wrdreg $0xFFFFFFFF  }
0xae: {  	[dreg:$0x0] =	wrdreg $0x60  }
0xaf: {  	[dreg:$0x2] =	wrdreg s18  }
0xb0: {  	[dreg:$0x3] =	wrdreg s24  }
0xb1: {  	[dreg:$0x4] =	wrdreg s2  }
0xb2: {  	[dreg:$0x5] =	wrdreg $0x9  }
0xb3: {  	_ =	task.clear_ibuf [dreg:s8], $0x6FFFF;
	_ =	strace $0x90000046  }
0xb4: {  	s29 =	simm.s32 $0x9;
	_ =	strace $0x80000048  }
0xb5: {  	_ =	swait.ge [sflag:s29], $0x1  }
0xb6: {  	[sflag:s29] =	ssyncadd.s32 $0xFFFFFFFF  }
0xb7: {  	_ =	strace $0x90000048  }
0xb8: {  	_ =	sfence  }
0xb9: {  	s30 =	sld [smem:$0x0];
	_ =	sdelay $0x2  }
0xba: {  	s31 =	sshll.u32 s1, $0xD;
	s1 =	sshrl.u32 s1, $0x2  }
0xbb: {  	s3 =	sand.u32 $0x4000, s31;
	s1 =	sadd.s32 s1, s30  }
0xbc: {  	s0 =	sor.u32 s3, s0;
	s1 =	sshll.u32 s1, $0x11  }
0xbd: {  	s0 =	sor.u32 s1, s0  }
0xbe: {  	s0 =	sadd.s32 $0x8F2B, s0  }
0xbf: {  	[sflag:s0] =	ssyncadd.remote.s32 $0x1  }
0xc0: {  	_ =	sfence.sel $0xFFFF  }
0xc1: {  	[dreg:$0x0] =	wrdreg $0xFFFFFFFF;
	(pc) =	sbr.abs _section_cstart, $3  }
0xc2: {  	[dreg:$0x1] =	wrdreg $0xFFFFFFFF  }
0xc3: {  	_ =	task.clear_ibuf [dreg:s8], $0x2FFFF;
	_ =	strace $0x9FFFFFFF  }
0xc4: {  	(tm) =	ssettm $0x7FFFFFFF  }
0xc5: {  	_ =	shalt  }
tec
execute0_lowered:
.L_overlay_start_1:
0x0: {  	(tag) =	ssettag $0x1  }
0x1: {  	s5 =	rddreg [dreg:$0x0]  }
0x2: {  	s6 =	rddreg [dreg:$0x1]  }
0x3: {  	s1 =	rddreg [dreg:$0x2];
	s2 =	simm.s32 $0x0  }
0x4: {  	[smem:$0x7FF] =	sst s2  }
0x5: {  	s0 =	rddreg [dreg:$0x3];
	v0 =	vimm.f32 $2.000000000e+00;
	_ =	strace $0x80000047  }
0x6: {  	(erf) = vrcp.f32 v0;
	v0 =	vimm.f32 $1.000000000e+05  }
0x7: {  	(erf) = vrcp.f32 v0;
	v0 =	vimm.f32 $-1.500000000e+00  }
0x8: {  	(erf) = vrcp.f32 v0;
	v0 =	vimm.f32 $7.500000000e-01  }
0x9: {  	(erf) = vrcp.f32 v0;
	v0 =	vimm.f32 $-7.500000000e-01  }
0xa: {  	(erf) = vrcp.f32 v0;
	v0 =	vimm.f32 $1.500000000e+00  }
0xb: {  	(erf) = vrcp.f32 v0  }
0xc: {  	s3 =	srdreg.scid;
	s11 =	simm.s32 $0x24A000  }
0xd: {  	s12 =	simm.s32 $0x500;
	s13 =	simm.s32 $0x200;
	s14 =	simm.s32 $0x100  }
0xe: {  	s15 =	simm.s32 $0x300;
	s16 =	simm.s32 $0x2500;
	s17 =	simm.s32 $0x10500  }
0xf: {  	s18 =	simm.s32 $0x9;
	s19 =	simm.s32 $0x0;
	s4 =	sand.u32 $0x1, s3;
	v0 =	vpop (erf)  }
.Ltmp0:
0x10: {  	s3 =	stileid.u32;
	s7 =	ssub.s32 $0x2, s4;
	v1 =	vpop (erf);
	(pc) =	sbr.rel .LBB2_1-.Ltmp0, $4  }
0x11: {  	v4 =	vlaneseq.u32;
	s9 =	sshll.u32 s3, $0x5;
	s10 =	sshll.u32 s4, $0x4;
	s4 =	sadd.s32 $0x200, s6;
	v2 =	vpop (erf)  }
0x12: {  	v4 =	vmul.u32 $0x80, v4;
	s8 =	sshrl.u32 s7, $0x1;
	s31 =	sor.u32 s10, s9;
	s9 =	simm.s32 $0x80;
	v3 =	vpop (erf)  }
0x13: {  	v6 =	vimm.s32 $0x40000000;
	s10 =	simm.s32 $0x400;
	s7 =	ssub.s32 s7, s8;
	s5 =	sadd.s32 s5, s31;
	v5 =	vpop (erf)  }
0x14: {  	v8 =	vor.u32 $0x800, v4;
	v9 =	vor.u32 $0x1000, v4;
	v10 =	vor.u32 $0x1800, v4;
	s6 =	sadd.s32 s6, s31;
	s8 =	simm.s32 $0xA;
	s7 =	smax.u32 s7, $0x1;
	v7 =	vpop (erf)  }
.LBB2_12:
0x15: {  	s19 =	sadd.s32 $0x1, s19  }
0x16: {  	p0 =	sne.s32 s19, s7  }
.Ltmp1:
0x17: {  	_ = 	snop;
	(pc) =	sbr.rel @!p0 .LBB2_13-.Ltmp1, $4  }
0x18: {  	[hbm4b:s4+s9] =	stream.indirect.scatter [tilespmem:s17], [sflag:$0x9], $0x80, s9, s9, $0xb8;
	[tilespmem:$0x14500] =	vst v63  }
0x19: {  	_ =	swait.ge [sflag:s18], $0x4000  }
0x1a: {  	[sflag:s18] =	ssyncset.done $0x0  }
0x1b: {  	[sflag:s18] =	ssyncadd.s32 $0xFFFFC000  }
.LBB2_1:
0x1c: {  	[tilespmem:s2], [sflag:$0xA] =	stream.linear.gather [hbm4b:s5+s2], $0x80, $0x38;
	[tilespmem:$0x14500] =	vst v63  }
0x1d: {  	_ =	swait.ge [sflag:s8], $0x80  }
0x1e: {  	[sflag:s8] =	ssyncset.done $0x0  }
0x1f: {  	[sflag:s8] =	ssyncadd.s32 $0xFFFFFF80  }
0x20: {  	[tilespmem:s9], [sflag:$0xA] =	stream.linear.gather [hbm4b:s6+s2], $0x80, $0x38;
	[tilespmem:$0x14500] =	vst v63  }
0x21: {  	_ =	swait.ge [sflag:s8], $0x80  }
0x22: {  	[sflag:s8] =	ssyncset.done $0x0  }
0x23: {  	s23 =	simm.s32 $0x0;
	[sflag:s8] =	ssyncadd.s32 $0xFFFFFF80  }
0x24: {  	v11 =	vld [tilespmem:s23+$0x0];
	_ =	sdelay $0x4  }
0x25: {  	v12 =	vadd.f32 $1.000000000e+00, v11;
	_ =	sdelay $0x1  }
0x26: {  	v12 =	vmul.f32 v12, v0;
	_ =	sdelay $0x1  }
0x27: {  	v12 =	vmul.f32 $1.000000000e+05, v12;
	_ =	sdelay $0x1  }
0x28: {  	s20 =	simm.s32 $0x10;
	v12 =	vtrunc.f32 v12  }
0x29: {  	v13 =	vld [tilespmem:s20+$0x0];
	v12 =	vcvt.f32.s32 v12;
	_ =	sdelay $0x1  }
0x2a: {  	v14 =	vcvt.s32.f32 v12;
	_ =	sdelay $0x1  }
0x2b: {  	v15 =	vadd.f32 $1.000000000e+00, v14  }
0x2c: {  	v16 =	vadd.f32 $1.000000000e+00, v13  }
0x2d: {  	v14 =	vmul.f32 v14, v1;
	v15 =	vmul.f32 v15, v1  }
0x2e: {  	v16 =	vmul.f32 v16, v0  }
0x2f: {  	v12 =	vmul.u32 $0x3, v12;
	v14 =	vadd.f32 v14, v14;
	v15 =	vadd.f32 v15, v15  }
0x30: {  	v16 =	vmul.f32 $1.000000000e+05, v16  }
0x31: {  	v17 =	vadd.s32 $0x3, v12;
	v14 =	vadd.f32 $-1.000000000e+00, v14;
	v15 =	vadd.f32 $-1.000000000e+00, v15  }
0x32: {  	[tilespmem:s23+$0x100] =	vst v12;
	v12 =	vshra.s32 v17, $0x7  }
0x33: {  	s21 =	simm.s32 $0x20;
	[tilespmem:s23+$0x200] =	vst v12;
	v12 =	vtrunc.f32 v16;
	v15 =	vsub.f32 v15, v14  }
0x34: {  	v16 =	vcvt.f32.s32 v12;
	v12 =	vld [tilespmem:s21+$0x0]  }
0x35: {  	(erf) = vrcp.f32 v15  }
0x36: {  	v15 =	vcvt.s32.f32 v16;
	_ =	sdelay $0x1  }
0x37: {  	v17 =	vadd.f32 $1.000000000e+00, v15  }
0x38: {  	v18 =	vadd.f32 $1.000000000e+00, v12  }
0x39: {  	v15 =	vmul.f32 v15, v1;
	v17 =	vmul.f32 v17, v1  }
0x3a: {  	v18 =	vmul.f32 v18, v0  }
0x3b: {  	v16 =	vmul.u32 $0x3, v16;
	v15 =	vadd.f32 v15, v15;
	v17 =	vadd.f32 v17, v17  }
0x3c: {  	v11 =	vsub.f32 v11, v14;
	v18 =	vmul.f32 $1.000000000e+05, v18  }
0x3d: {  	v14 =	vadd.s32 $0x3, v16;
	v15 =	vadd.f32 $-1.000000000e+00, v15;
	v17 =	vadd.f32 $-1.000000000e+00, v17;
	v19 =	vpop (erf)  }
0x3e: {  	[tilespmem:s20+$0x100] =	vst v16;
	v14 =	vshra.s32 v14, $0x7;
	v16 =	vtrunc.f32 v18;
	v18 =	vmul.f32 v19, v11  }
0x3f: {  	s22 =	simm.s32 $0x30;
	[tilespmem:s20+$0x200] =	vst v14;
	v14 =	vcvt.f32.s32 v16;
	v16 =	vsub.f32 v17, v15  }
0x40: {  	v11 =	vld [tilespmem:s22+$0x0];
	v17 =	vadd.f32 v18, v18  }
0x41: {  	v18 =	vcvt.s32.f32 v14;
	(erf) = vrcp.f32 v16  }
0x42: {  	v16 =	vadd.f32 $-1.000000000e+00, v17  }
0x43: {  	v17 =	vadd.f32 $1.000000000e+00, v18  }
0x44: {  	v18 =	vmul.f32 v18, v1;
	v19 =	vadd.f32 $5.000000000e-01, v16;
	v20 =	vadd.f32 $1.000000000e+00, v16  }
0x45: {  	v14 =	vmul.u32 $0x3, v14;
	v21 =	vadd.f32 $1.000000000e+00, v11;
	v17 =	vmul.f32 v17, v1  }
0x46: {  	v22 =	vadd.f32 $-5.000000000e-01, v16;
	v18 =	vadd.f32 v18, v18;
	v23 =	vmul.f32 v19, v20  }
0x47: {  	v13 =	vsub.f32 v13, v15;
	v21 =	vmul.f32 v21, v0  }
0x48: {  	v24 =	vadd.s32 $0x3, v14;
	v17 =	vadd.f32 v17, v17;
	v15 =	vmul.f32 v23, v22  }
0x49: {  	v24 =	vshra.s32 v24, $0x7;
	v19 =	vmul.f32 v22, v19;
	v21 =	vmul.f32 $1.000000000e+05, v21  }
0x4a: {  	[tilespmem:s21+$0x100] =	vst v14;
	v14 =	vadd.f32 $-1.000000000e+00, v18;
	v17 =	vadd.f32 $-1.000000000e+00, v17;
	v18 =	vpop (erf);
	v25 =	vmul.f32 v15, v7  }
0x4b: {  	[tilespmem:s21+$0x200] =	vst v24;
	v15 =	vadd.f32 $-1.000000000e+00, v16;
	v16 =	vtrunc.f32 v21;
	v63 =	vmul.f32 v18, v13  }
0x4c: {  	s24 =	simm.s32 $0x40;
	v21 =	vsub.f32 v17, v14;
	v17 =	vmul.f32 v22, v20;
	v18 =	vcvt.f32.s32 v16;
	[tilespmem:s23+$0x480] =	vst v25  }
0x4d: {  	s25 =	simm.s32 $0x140;
	v20 =	vadd.f32 v63, v63;
	v19 =	vmul.f32 v19, v15;
	v16 =	vmul.f32 v23, v15;
	v13 =	vld [tilespmem:s24+$0x0]  }
.LBB2_2:
0x4e: {  	p0 =	sne.s32 s25, $0x1C0;
	v22 =	vcvt.s32.f32 v18;
	v18 =	vmul.u32 $0x3, v18;
	(erf) = vrcp.f32 v21  }
0x4f: {  	v15 =	vmul.f32 v17, v15;
	v20 =	vadd.f32 $-1.000000000e+00, v20;
	v19 =	vmul.f32 v19, v2  }
0x50: {  	v16 =	vmul.f32 v16, v5;
	[tilespmem:s22+$0x100] =	vst v18;
	v17 =	vadd.s32 $0x3, v18;
	v18 =	vadd.f32 $1.000000000e+00, v22  }
0x51: {  	v24 =	vmul.f32 v15, v3;
	v21 =	vadd.f32 $5.000000000e-01, v20;
	v23 =	vadd.f32 $1.000000000e+00, v20;
	[tilespmem:s23+$0x300] =	vst v19  }
0x52: {  	v22 =	vmul.f32 v22, v1;
	v15 =	vadd.f32 $-1.000000000e+00, v20;
	v19 =	vadd.f32 $1.000000000e+00, v13;
	[tilespmem:s23+$0x400] =	vst v16  }
0x53: {  	v20 =	vadd.f32 $-5.000000000e-01, v20;
	v16 =	vmul.f32 v18, v1;
	v25 =	vmul.f32 v21, v23;
	[tilespmem:s23+$0x380] =	vst v24;
	s23 =	smov.u32 s20;
	s20 =	smov.u32 s21;
	s21 =	smov.u32 s22  }
0x54: {  	v17 =	vshra.s32 v17, $0x7;
	s22 =	smov.u32 s24;
	v18 =	vmul.f32 v19, v0  }
0x55: {  	v26 =	vadd.f32 v16, v16;
	[tilespmem:s21+$0x200] =	vst v17;
	v17 =	vadd.f32 v22, v22;
	v19 =	vmul.f32 v25, v20  }
.Ltmp2:
0x56: {  	v24 =	vmul.f32 v20, v21;
	v22 =	vsub.f32 v12, v14;
	v12 =	vmovc v11;
	v11 =	vmovc v13;
	v18 =	vmul.f32 $1.000000000e+05, v18;
	(pc) =	sbr.rel @p0 .LBB2_2-.Ltmp2, $4  }
0x57: {  	v13 =	vadd.f32 $-1.000000000e+00, v26;
	v14 =	vadd.f32 $-1.000000000e+00, v17;
	v16 =	vpop (erf);
	v19 =	vmul.f32 v19, v7  }
0x58: {  	v17 =	vtrunc.f32 v18;
	v16 =	vmul.f32 v16, v22  }
0x59: {  	s24 =	sshra.s32 s25, $0x2;
	v18 =	vcvt.f32.s32 v17;
	v21 =	vsub.f32 v13, v14;
	v17 =	vmul.f32 v20, v23;
	[tilespmem:s23+$0x480] =	vst v19  }
0x5a: {  	s25 =	sadd.s32 $0x40, s25;
	v19 =	vmul.f32 v24, v15;
	v13 =	vld [tilespmem:s24+$0x0];
	v20 =	vadd.f32 v16, v16;
	v16 =	vmul.f32 v25, v15  }
0x5b: {  	_ =	sdelay $0x3  }
0x5c: {  	v22 =	vadd.f32 $1.000000000e+00, v13;
	_ =	sdelay $0x1  }
0x5d: {  	v23 =	vcvt.s32.f32 v18;
	v22 =	vmul.f32 v22, v0;
	_ =	sdelay $0x1  }
0x5e: {  	v24 =	vadd.f32 $1.000000000e+00, v23;
	v22 =	vmul.f32 $1.000000000e+05, v22;
	_ =	sdelay $0x1  }
0x5f: {  	v24 =	vmul.f32 v24, v1;
	v22 =	vtrunc.f32 v22  }
0x60: {  	v23 =	vmul.f32 v23, v1;
	v47 =	vcvt.f32.s32 v22  }
0x61: {  	(erf) = vrcp.f32 v21;
	v49 =	vadd.f32 v24, v24  }
0x62: {  	v48 =	vadd.f32 v23, v23;
	v50 =	vcvt.s32.f32 v47  }
0x63: {  	v23 =	vadd.f32 $-1.000000000e+00, v49  }
0x64: {  	v22 =	vadd.f32 $-1.000000000e+00, v48;
	v25 =	vadd.f32 $1.000000000e+00, v50  }
0x65: {  	v20 =	vadd.f32 $-1.000000000e+00, v20  }
0x66: {  	v23 =	vsub.f32 v23, v22;
	v24 =	vmul.f32 v50, v1;
	v25 =	vmul.f32 v25, v1  }
0x67: {  	v12 =	vsub.f32 v12, v14;
	v15 =	vmul.f32 v17, v15;
	v55 =	vadd.f32 $5.000000000e-01, v20  }
0x68: {  	(erf) = vrcp.f32 v23;
	v53 =	vadd.f32 v24, v24;
	v54 =	vadd.f32 v25, v25  }
0x69: {  	v52 =	vmul.f32 v19, v2;
	v56 =	vadd.f32 $1.000000000e+00, v20;
	v26 =	vadd.f32 $-5.000000000e-01, v20  }
0x6a: {  	v16 =	vmul.f32 v16, v5;
	v57 =	vpop (erf);
	v19 =	vadd.f32 $-1.000000000e+00, v53;
	v23 =	vadd.f32 $-1.000000000e+00, v54  }
0x6b: {  	v51 =	vmul.u32 $0x3, v18;
	v27 =	vmul.f32 v55, v56;
	v12 =	vmul.f32 v57, v12  }
0x6c: {  	v20 =	vadd.f32 $-1.000000000e+00, v20;
	v17 =	vmul.f32 v26, v55;
	v23 =	vsub.f32 v23, v19  }
0x6d: {  	v15 =	vmul.f32 v15, v3;
	v28 =	vmul.f32 v27, v26;
	v12 =	vadd.f32 v12, v12  }
0x6e: {  	v58 =	vadd.s32 $0x3, v51;
	v17 =	vmul.f32 v17, v20;
	(erf) = vrcp.f32 v23  }
0x6f: {  	v27 =	vmul.f32 v27, v20;
	v59 =	vmul.f32 v28, v7;
	v12 =	vadd.f32 $-1.000000000e+00, v12  }
0x70: {  	v17 =	vmul.f32 v17, v2;
	v11 =	vsub.f32 v11, v22;
	v21 =	vmul.u32 $0x3, v47  }
0x71: {  	v33 =	vmul.f32 v27, v5;
	v61 =	vadd.f32 $5.000000000e-01, v12;
	v62 =	vadd.f32 $1.000000000e+00, v12;
	v60 =	vpop (erf)  }
0x72: {  	v32 =	vadd.s32 $0x3, v21;
	v63 =	vadd.f32 $-5.000000000e-01, v12;
	v11 =	vmul.f32 v60, v11  }
0x73: {  	[tilespmem:s22+$0x100] =	vst v51;
	v12 =	vadd.f32 $-1.000000000e+00, v12;
	v24 =	vmul.f32 v26, v56;
	v29 =	vmul.f32 v61, v62  }
0x74: {  	[tilespmem:s23+$0x300] =	vst v52;
	v36 =	vmul.f32 v63, v61;
	v39 =	vmul.f32 v63, v62;
	v11 =	vadd.f32 v11, v11  }
0x75: {  	[tilespmem:s23+$0x400] =	vst v16;
	v25 =	vshra.s32 v58, $0x7;
	v31 =	vmul.f32 v24, v20;
	v34 =	vmul.f32 v29, v63  }
0x76: {  	[tilespmem:s23+$0x380] =	vst v15;
	v15 =	vmul.f32 v36, v12;
	v38 =	vsub.f32 v13, v19;
	v11 =	vadd.f32 $-1.000000000e+00, v11  }
0x77: {  	v14 =	vshra.s32 v32, $0x7;
	[tilespmem:s22+$0x200] =	vst v25;
	v43 =	vmul.f32 v29, v12;
	v12 =	vmul.f32 v39, v12;
	v42 =	vpop (erf)  }
0x78: {  	v35 =	vmul.f32 v31, v3;
	[tilespmem:s20+$0x480] =	vst v59;
	v40 =	vadd.f32 $5.000000000e-01, v11;
	v13 =	vmul.f32 v42, v38  }
0x79: {  	v37 =	vmul.f32 v34, v7;
	[tilespmem:s24+$0x100] =	vst v21;
	v41 =	vadd.f32 $1.000000000e+00, v11;
	v44 =	vadd.f32 $-5.000000000e-01, v11  }
0x7a: {  	v15 =	vmul.f32 v15, v2;
	v48 =	vmul.f32 v43, v5;
	[tilespmem:s20+$0x300] =	vst v17;
	v13 =	vadd.f32 v13, v13  }
0x7b: {  	[tilespmem:s20+$0x400] =	vst v33;
	v11 =	vadd.f32 $-1.000000000e+00, v11;
	v45 =	vmul.f32 v40, v41;
	v47 =	vmul.f32 v44, v40  }
0x7c: {  	v12 =	vmul.f32 v12, v3;
	[tilespmem:s20+$0x380] =	vst v35;
	v51 =	vmul.f32 v44, v41;
	v13 =	vadd.f32 $-1.000000000e+00, v13  }
0x7d: {  	[tilespmem:s24+$0x200] =	vst v14;
	v46 =	vmul.f32 v45, v44;
	v50 =	vmul.f32 v47, v11  }
0x7e: {  	[tilespmem:s21+$0x480] =	vst v37;
	v54 =	vmul.f32 v45, v11;
	v52 =	vadd.f32 $5.000000000e-01, v13;
	v53 =	vadd.f32 $1.000000000e+00, v13  }
0x7f: {  	[tilespmem:s21+$0x300] =	vst v15;
	v11 =	vmul.f32 v51, v11;
	v49 =	vmul.f32 v46, v7;
	v55 =	vadd.f32 $-5.000000000e-01, v13  }
0x80: {  	[tilespmem:s21+$0x400] =	vst v48;
	v17 =	vmul.f32 v50, v2;
	v56 =	vmul.f32 v52, v53  }
0x81: {  	[tilespmem:s21+$0x380] =	vst v12;
	v57 =	vmul.f32 v54, v5;
	v13 =	vadd.f32 $-1.000000000e+00, v13;
	v58 =	vmul.f32 v55, v52  }
0x82: {  	v11 =	vmul.f32 v11, v3;
	[tilespmem:s22+$0x480] =	vst v49;
	v59 =	vmul.f32 v56, v55  }
0x83: {  	[tilespmem:s22+$0x300] =	vst v17;
	v60 =	vmul.f32 v55, v53;
	v15 =	vmul.f32 v58, v13  }
0x84: {  	[tilespmem:s22+$0x400] =	vst v57;
	v62 =	vmul.f32 v56, v13;
	v61 =	vmul.f32 v59, v7  }
0x85: {  	[tilespmem:s22+$0x380] =	vst v11;
	v13 =	vmul.f32 v60, v13;
	v11 =	vmul.f32 v15, v2  }
0x86: {  	v63 =	vmul.f32 v62, v5;
	[tilespmem:s24+$0x480] =	vst v61  }
0x87: {  	v13 =	vmul.f32 v13, v3;
	[tilespmem:s24+$0x300] =	vst v11  }
0x88: {  	[tilespmem:s24+$0x400] =	vst v63  }
0x89: {  	[tilespmem:s24+$0x380] =	vst v13  }
0x8a: {  	v11 =	vld [tilespmem:$0x100]  }
0x8b: {  	v12 =	vld [tilespmem:$0x170];
	_ =	sdelay $0x3  }
0x8c: {  	(v2sf) =	vpush v11, $0x0  }
0x8d: {  	(v2sf) =	vpush v12, $0xF;
	_ =	sdelay $0xd  }
0x8e: {  	s22 =	spop (v2sf)  }
0x8f: {  	s30 =	spop (v2sf)  }
0x90: {  	s31 =	sadd.s32 $0x3, s30  }
0x91: {  	s20 =	sshra.s32 s22, $0x7;
	s23 =	sshra.s32 s31, $0x7  }
0x92: {  	s21 =	ssub.s32 s23, s20  }
0x93: {  	p0 =	slt.s32 s21, $0x0  }
.Ltmp3:
0x94: {  	_ = 	snop;
	(pc) =	sbr.rel @p0 .LBB2_12-.Ltmp3, $2  }
0x95: {  	_ =	sdelay $0x2  }
0x96: {  	[tilespmem:$0x280] =	vst v6  }
0x97: {  	p0 =	seq.s32 s23, s20  }
.Ltmp4:
0x98: {  	_ = 	snop;
	(pc) =	sbr.rel @p0 .LBB2_6-.Ltmp4, $4  }
0x99: {  	_ = 	snop  }
0x9a: {  	s24 =	sand.u32 $0xFFFFF80, s22  }
0x9b: {  	s24 =	sadd.s32 s1, s24  }
0x9c: {  	[tilespmem:s12], [sflag:$0x1] =	stream.strided.gather [hbm4b:s24+s10], $0x2000, s11, s10, $0x38;
	[tilespmem:$0x14500] =	vst v63  }
0x9d: {  	s22 =	sshll.u32 s22, $0x3  }
0x9e: {  	s22 =	sand.u32 $0xFFFFFC00, s22  }
0x9f: {  	s23 =	sadd.s32 $0x400, s22  }
0xa0: {  	s23 =	sshrl.u32 s23, $0x3  }
0xa1: {  	p0 =	slt.u32 s21, $0x2;
	s23 =	sadd.s32 s1, s23  }
0xa2: {  	[tilespmem:s16], [sflag:$0x2] =	stream.strided.gather [hbm4b:s23+s10], $0x2000, s11, s10, $0x38;
	[tilespmem:$0x14500] =	vst v63  }
0xa3: {  	s24 =	simm.s32 @!p0 $0x400;
	p1 =	seq.s32 @!p0 s21, $0x2;
	s23 =	sadd.s32 @!p0 $0x800, s22  }
0xa4: {  	s25 =	simm.s32 @!p0 $0x24A000;
	p2 =	por p1, p0;
	s23 =	sshrl.u32 @!p0 s23, $0x3  }
0xa5: {  	s26 =	simm.s32 @!p0 $0x4500;
	p3 =	slt.u32 @!p2 s21, $0x4;
	s23 =	sadd.s32 @!p0 s1, s23  }
0xa6: {  	[tilespmem:s26], [sflag:$0x3] =	stream.strided.gather @!p0 [hbm4b:s23+s24], $0x2000, s25, s24, $0x38;
	[tilespmem:$0x14500] =	vst v63  }
0xa7: {  	p4 =	por @!p0 p3, p1;
	s23 =	sadd.s32 @!p2 $0xC00, s22  }
0xa8: {  	p4 =	por p4, p0;
	s24 =	simm.s32 @!p2 $0x400;
	s23 =	sshrl.u32 @!p2 s23, $0x3  }
0xa9: {  	s25 =	simm.s32 @!p2 $0x24A000;
	s26 =	simm.s32 @!p2 $0x6500;
	s23 =	sadd.s32 @!p2 s1, s23  }
0xaa: {  	[tilespmem:s26], [sflag:$0x4] =	stream.strided.gather @!p2 [hbm4b:s23+s24], $0x2000, s25, s24, $0x38;
	[tilespmem:$0x14500] =	vst v63  }
0xab: {  	s23 =	sadd.s32 @!p4 $0x1000, s22  }
0xac: {  	s24 =	simm.s32 @!p4 $0x400;
	s23 =	sshrl.u32 @!p4 s23, $0x3  }
0xad: {  	s25 =	simm.s32 @!p4 $0x24A000;
	s26 =	simm.s32 @!p4 $0x8500;
	s23 =	sadd.s32 @!p4 s1, s23  }
0xae: {  	[tilespmem:s26], [sflag:$0x5] =	stream.strided.gather @!p4 [hbm4b:s23+s24], $0x2000, s25, s24, $0x38;
	[tilespmem:$0x14500] =	vst v63  }
0xaf: {  	p4 =	seq.s32 @!p4 s21, $0x4  }
0xb0: {  	p2 =	por @!p2 p4, p3  }
0xb1: {  	p1 =	por @!p0 p2, p1  }
0xb2: {  	p0 =	por p1, p0  }
0xb3: {  	s22 =	sadd.s32 @!p0 $0x1400, s22  }
0xb4: {  	s23 =	simm.s32 @!p0 $0x400;
	s22 =	sshrl.u32 @!p0 s22, $0x3  }
0xb5: {  	s24 =	simm.s32 @!p0 $0x24A000;
	s25 =	simm.s32 @!p0 $0xA500;
	s22 =	sadd.s32 @!p0 s1, s22  }
0xb6: {  	[tilespmem:s25], [sflag:$0x6] =	stream.strided.gather @!p0 [hbm4b:s22+s23], $0x2000, s24, s23, $0x38;
	[tilespmem:$0x14500] =	vst v63  }
.LBB2_6:
0xb7: {  	v11 =	vld.msk [tilespmem:s13+$0x0], $0xffff;
	_ =	sdelay $0x4  }
0xb8: {  	(v2sf) =	vpush v11, $0x0;
	_ =	sdelay $0xa  }
.Ltmp5:
0xb9: {  	_ = 	snop;
	(pc) =	sbr.rel .LBB2_7-.Ltmp5, $3  }
0xba: {  	_ =	sdelay $0x1  }
0xbb: {  	s22 =	sadd.s32 $0x1, s21  }
0xbc: {  	s23 =	simm.s32 $0x0;
	s24 =	simm.s32 $0x0;
	v11 =	vmov s20;
	s25 =	spop (v2sf)  }
.LBB2_8:
0xbd: {  	s28 =	smov.u32 s25  }
.LBB2_11:
0xbe: {  	s24 =	sadd.s32 $0x1, s24  }
0xbf: {  	p0 =	sne.s32 s24, s22  }
.Ltmp6:
0xc0: {  	_ = 	snop;
	(pc) =	sbr.rel @!p0 .LBB2_12-.Ltmp6, $2  }
0xc1: {  	_ =	sdelay $0x2  }
0xc2: {  	s25 =	smov.u32 s28  }
.LBB2_7:
0xc3: {  	s26 =	sadd.s32 $0x6, s24  }
0xc4: {  	p0 =	sgt.s32 s26, s21  }
0xc5: {  	s28 =	sand.u32 @!p0 $0x7, s26;
	s26 =	sadd.s32 @!p0 s20, s26  }
0xc6: {  	s30 =	simm.s32 @!p0 $0x400;
	s26 =	sshll.u32 @!p0 s26, $0x7  }
0xc7: {  	s31 =	simm.s32 @!p0 $0x24A000;
	s29 =	sshll.u32 @!p0 s28, $0xD;
	s26 =	sand.u32 @!p0 $0x1FFFFF80, s26  }
0xc8: {  	s28 =	sadd.s32 @!p0 $0x1, s28;
	s29 =	sor.u32 @!p0 $0x500, s29;
	s26 =	sadd.s32 @!p0 s1, s26  }
0xc9: {  	[tilespmem:s29], [sflag:s28] =	stream.strided.gather @!p0 [hbm4b:s26+s30], $0x2000, s31, s30, $0x38;
	[tilespmem:$0x14500] =	vst v63  }
0xca: {  	s31 =	sadd.s32 s20, s24  }
0xcb: {  	p0 =	sne.s32 s25, s31  }
.Ltmp7:
0xcc: {  	s30 =	sand.u32 $0x7, s24;
	(pc) =	sbr.rel @p0 .LBB2_8-.Ltmp7, $4  }
0xcd: {  	s26 =	sadd.s32 $0x1, s30  }
0xce: {  	_ =	swait.ge [sflag:s26], $0x2000  }
0xcf: {  	[sflag:s26] =	ssyncset.done $0x0  }
0xd0: {  	[sflag:s26] =	ssyncadd.s32 $0xFFFFE000  }
0xd1: {  	s26 =	sshll.u32 s23, $0x9  }
0xd2: {  	s26 =	sshra.s32 s26, $0x2  }
0xd3: {  	s26 =	sadd.s32 $0x10520, s26  }
.LBB2_10:
0xd4: {  	v12 =	vmov s23;
	_ =	sdelay $0x4  }
0xd5: {  	v13 =	vld.idx.msk [tilespmem:v12+s14+$0x0], $0xffff;
	_ =	sdelay $0x3  }
0xd6: {  	v15 =	vadd.s32 $0x80, v12  }
0xd7: {  	v14 =	vshrl.u32 v13, $0x7;
	v16 =	vadd.s32 $0x1, v13;
	v17 =	vand.u32 $0x7F, v13  }
0xd8: {  	v19 =	vadd.s32 $0x2, v13;
	v13 =	vadd.s32 $0x3, v13;
	v14 =	vsub.s32 v14, v11  }
0xd9: {  	v18 =	vshrl.u32 v16, $0x7;
	v16 =	vand.u32 $0x7F, v16;
	v20 =	vshrl.u32 v19, $0x7  }
0xda: {  	v19 =	vand.u32 $0x7F, v19;
	v18 =	vsub.s32 v18, v11;
	v14 =	vshll.u32 v14, $0xD  }
0xdb: {  	v21 =	vshrl.u32 v13, $0x7;
	v14 =	vand.u32 $0xE000, v14;
	v18 =	vshll.u32 v18, $0xD  }
0xdc: {  	v20 =	vsub.s32 v20, v11;
	v14 =	vor.u32 v17, v14;
	v44 =	vand.u32 $0xE000, v18  }
0xdd: {  	v46 =	vshll.u32 v20, $0xD;
	v45 =	vor.u32 v4, v14;
	v16 =	vor.u32 v16, v44  }
0xde: {  	v47 =	vsub.s32 v21, v11;
	v17 =	vand.u32 $0xE000, v46;
	v48 =	vor.u32 v4, v16  }
0xdf: {  	v22 =	vadd.s32 $0x100, v12;
	v49 =	vshll.u32 v47, $0xD;
	v17 =	vor.u32 v19, v17  }
0xe0: {  	v50 =	vld.idx.msk [tilespmem:v12+s15+$0x0], $0xffff;
	v13 =	vand.u32 $0x7F, v13;
	v19 =	vand.u32 $0xE000, v49;
	v23 =	vor.u32 v4, v17  }
0xe1: {  	v12 =	vadd.s32 $0x180, v12;
	v15 =	vld.idx.msk [tilespmem:v15+s15+$0x0], $0xffff;
	v13 =	vor.u32 v13, v19  }
0xe2: {  	v19 =	vor.u32 v4, v13;
	v18 =	vld.idx.msk [tilespmem:v45+s12+$0x0], $0xffff  }
0xe3: {  	v21 =	vld.idx.msk [tilespmem:v48+s12+$0x0], $0xffff  }
0xe4: {  	v22 =	vld.idx.msk [tilespmem:v22+s15+$0x0], $0xffff  }
0xe5: {  	v23 =	vld.idx.msk [tilespmem:v23+s12+$0x0], $0xffff  }
0xe6: {  	v12 =	vld.idx.msk [tilespmem:v12+s15+$0x0], $0xffff  }
0xe7: {  	v19 =	vld.idx.msk [tilespmem:v19+s12+$0x0], $0xffff  }
0xe8: {  	v18 =	vmul.f32 v18, v50;
	v21 =	vmul.f32 v21, v15;
	_ =	sdelay $0x1  }
0xe9: {  	v51 =	vmul.f32 v23, v22;
	v18 =	vadd.f32 v21, v18;
	_ =	sdelay $0x1  }
0xea: {  	v52 =	vor.u32 v8, v14;
	v19 =	vmul.f32 v19, v12;
	v18 =	vadd.f32 v51, v18  }
0xeb: {  	v53 =	vor.u32 v8, v16  }
0xec: {  	v18 =	vadd.f32 v19, v18  }
0xed: {  	v54 =	vor.u32 v8, v17  }
0xee: {  	[tilespmem:s26+$0xFFFFFFE0] =	vst v18  }
0xef: {  	v55 =	vor.u32 v8, v13;
	v18 =	vld.idx.msk [tilespmem:v52+s12+$0x0], $0xffff  }
0xf0: {  	v23 =	vld.idx.msk [tilespmem:v53+s12+$0x0], $0xffff;
	_ =	sdelay $0x1  }
0xf1: {  	v19 =	vld.idx.msk [tilespmem:v54+s12+$0x0], $0xffff;
	_ =	sdelay $0x1  }
0xf2: {  	v21 =	vld.idx.msk [tilespmem:v55+s12+$0x0], $0xffff  }
0xf3: {  	v18 =	vmul.f32 v18, v50;
	v23 =	vmul.f32 v23, v15;
	_ =	sdelay $0x1  }
0xf4: {  	v19 =	vmul.f32 v19, v22;
	v18 =	vadd.f32 v23, v18;
	_ =	sdelay $0x1  }
0xf5: {  	v57 =	vor.u32 v9, v14;
	v56 =	vmul.f32 v21, v12;
	v18 =	vadd.f32 v19, v18  }
0xf6: {  	v58 =	vor.u32 v9, v16  }
0xf7: {  	v18 =	vadd.f32 v56, v18  }
0xf8: {  	v59 =	vor.u32 v9, v17  }
0xf9: {  	[tilespmem:s26+$0xFFFFFFF0] =	vst v18  }
0xfa: {  	v60 =	vor.u32 v9, v13;
	v18 =	vld.idx.msk [tilespmem:v57+s12+$0x0], $0xffff  }
0xfb: {  	v23 =	vld.idx.msk [tilespmem:v58+s12+$0x0], $0xffff;
	_ =	sdelay $0x1  }
0xfc: {  	v19 =	vld.idx.msk [tilespmem:v59+s12+$0x0], $0xffff;
	_ =	sdelay $0x1  }
0xfd: {  	v21 =	vld.idx.msk [tilespmem:v60+s12+$0x0], $0xffff  }
0xfe: {  	v18 =	vmul.f32 v18, v50;
	v23 =	vmul.f32 v23, v15;
	_ =	sdelay $0x1  }
0xff: {  	v19 =	vmul.f32 v19, v22;
	v18 =	vadd.f32 v23, v18;
	_ =	sdelay $0x1  }
0x100: {  	v14 =	vor.u32 v10, v14;
	v61 =	vmul.f32 v21, v12;
	v18 =	vadd.f32 v19, v18  }
0x101: {  	v16 =	vor.u32 v10, v16  }
0x102: {  	v18 =	vadd.f32 v61, v18  }
0x103: {  	v17 =	vor.u32 v10, v17  }
0x104: {  	[tilespmem:s26+$0x0] =	vst v18  }
0x105: {  	v13 =	vor.u32 v10, v13;
	v14 =	vld.idx.msk [tilespmem:v14+s12+$0x0], $0xffff  }
0x106: {  	v16 =	vld.idx.msk [tilespmem:v16+s12+$0x0], $0xffff;
	_ =	sdelay $0x1  }
0x107: {  	v17 =	vld.idx.msk [tilespmem:v17+s12+$0x0], $0xffff;
	_ =	sdelay $0x1  }
0x108: {  	v13 =	vld.idx.msk [tilespmem:v13+s12+$0x0], $0xffff  }
0x109: {  	v14 =	vmul.f32 v14, v50;
	v15 =	vmul.f32 v16, v15;
	_ =	sdelay $0x1  }
0x10a: {  	v62 =	vmul.f32 v17, v22;
	v14 =	vadd.f32 v15, v14  }
0x10b: {  	s23 =	sadd.s32 $0x1, s23  }
0x10c: {  	v63 =	vmov s23;
	v12 =	vmul.f32 v13, v12;
	v14 =	vadd.f32 v62, v14;
	_ =	sdelay $0x1  }
0x10d: {  	v12 =	vadd.f32 v12, v14;
	_ =	sdelay $0x1  }
0x10e: {  	[tilespmem:s26+$0x10] =	vst v12  }
0x10f: {  	v12 =	vld.idx.msk [tilespmem:v63+s13+$0x0], $0xffff;
	_ =	sdelay $0x4  }
0x110: {  	(v2sf) =	vpush v12, $0x0;
	_ =	sdelay $0xe  }
0x111: {  	s28 =	spop (v2sf)  }
0x112: {  	p0 =	seq.s32 s28, s25  }
.Ltmp8:
0x113: {  	_ = 	snop;
	(pc) =	sbr.rel @p0 .LBB2_10-.Ltmp8, $2  }
0x114: {  	_ =	sdelay $0x2  }
0x115: {  	s26 =	sadd.s32 $0x80, s26  }
.Ltmp9:
0x116: {  	_ = 	snop;
	(pc) =	sbr.rel .LBB2_11-.Ltmp9, $1  }
0x117: {  	_ =	sdelay $0x3  }
.LBB2_13:
0x118: {  	_ =	sfence.sel $0x180000  }
0x119: {  	[bflag:$0x0] =	sbarrier.arrive $0xFFFF  }
0x11a: {  	p0 =	sne.s32 s3, $0x0;
	_ =	strace $0x90000047  }
0x11b: {  	s0 =	sadd.s32 @!p0 $0x100000, s0;
	[bflag:$0x2] =	sbarrier.arrive $0xFFFF  }
0x11c: {  	[sflag:s0] =	ssyncadd.tile.s32 @!p0 $0x1;
	_ =	shalt  }
.Lfunc_end2:
_tile_overlayer_lowered:
.L_overlay_start_2:
0x11d: {  	(tag) =	ssettag $0x2  }
0x11e: {  	s0 =	rddreg [dreg:$0x0];
	s2 =	stileid.u32  }
0x11f: {  	s1 =	rddreg [dreg:$0x1];
	p0 =	sne.s32 s2, $0x0  }
0x120: {  	s3 =	rddreg [dreg:$0x2];
	[bflag:$0x3] =	sbarrier.arrive $0xFFFF;
	s2 =	simm.s32 @!p0 $0x1C0A  }
0x121: {  	[timem:s3], [sflag:s2] =	dma.local @!p0 [hbm:s0], s1  }
0x122: {  	s0 =	simm.s32 @!p0 $0xA  }
0x123: {  	_ =	swait.ge @!p0 [sflag:s0], s1  }
0x124: {  	s1 =	ssub.s32 @!p0 $0x0, s1;
	[sflag:s0] =	ssyncset.done @!p0 $0x0  }
0x125: {  	[sflag:s0] =	ssyncadd.s32 @!p0 s1  }
0x126: {  	[bflag:$0x3] =	sbarrier.arrive $0xFFFF  }
0x127: {  	_ =	shalt  }

</sc_bundles>
